<compile_context>
chip_gen: v7x
topology: tpu7x:2x2x1
jax: 0.10.2.dev20260603
libtpu: 0.0.44.dev20260713+nightly
codegen_flags: <defaults>
</compile_context>

<pallas_src>
import functools

import jax
import jax.numpy as jnp
from jax import lax
from jax.experimental import pallas as pl
from jax.experimental.pallas import tpu as pltpu
from jax.experimental.pallas import tpu_sc as plsc

NSUB = 16
NCORE = 2
CH = 128


def _sc_segment_sum(xcat, midx, *, n_nodes, nch_per_sub, acc_rows):
    n2 = 2 * n_nodes
    nchunk = nch_per_sub * NSUB
    zrep = acc_rows // (NSUB * CH)
    orows = n2 // NSUB
    mesh = plsc.VectorSubcoreMesh(core_axis_name="c", subcore_axis_name="s")

    @functools.partial(
        pl.kernel,
        mesh=mesh,
        out_type=jax.ShapeDtypeStruct((2 * n2, 64), jnp.float32),
        scratch_types=(
            [pltpu.VMEM((2, CH), jnp.int32)] +
            [pltpu.VMEM((CH, 64), jnp.float32)] +
            [pltpu.VMEM_SHARED((acc_rows, 64), jnp.float32)] +
            [pltpu.SemaphoreType.DMA]
        ),
        compiler_params=pltpu.CompilerParams(use_tc_tiling_on_sc=False),
    )
    def k(xcat_h, midx_h, out_h, gs, b0, acc, semg):
        c = lax.axis_index("c")
        s = lax.axis_index("s")
        T = nch_per_sub

        def zv(i, carry):
            b0[i // 4, pl.ds((i % 4) * 16, 16)] = jnp.zeros(
                (16,), jnp.float32)
            return carry
        lax.fori_loop(0, CH * 4, zv, 0)

        def za(i, carry):
            pltpu.sync_copy(b0, acc.at[pl.ds((s * zrep + i) * CH, CH)])
            return carry
        lax.fori_loop(0, zrep, za, 0)
        plsc.subcore_barrier()

        def step(j, carry):
            ch = c * nchunk + s * T + j
            pltpu.sync_copy(midx_h.at[pl.ds(2 * ch, 2)], gs)
            pltpu.async_copy(xcat_h.at[gs.at[0]], b0, semg).wait()
            pltpu.sync_copy(b0, acc.at[gs.at[1]], add=True)
            return carry
        lax.fori_loop(0, T, step, 0)
        plsc.subcore_barrier()

        pltpu.sync_copy(acc.at[pl.ds(s * orows, orows)],
                        out_h.at[pl.ds(c * n2 + s * orows, orows)])

    return k(xcat, midx)


def _tc_layer(sp, xin, W, lw, b, *, relu, blk=1000):
    n = xin.shape[0]
    grid = (n // blk,)

    def body(sp_ref, x_ref, w_ref, lw_ref, b_ref, o_ref):
        w = w_ref[...]
        acc = jnp.dot(x_ref[...], lw_ref[...],
                      preferred_element_type=jnp.float32)
        for c in range(2):
            for r in range(2):
                acc += jnp.dot(sp_ref[c, r], w[r, c * 64:(c + 1) * 64],
                               preferred_element_type=jnp.float32)
        acc += b_ref[...]
        if relu:
            acc = jnp.maximum(acc, 0.0)
        o_ref[...] = acc

    return pl.pallas_call(
        body,
        grid=grid,
        in_specs=[
            pl.BlockSpec((2, 2, blk, 64), lambda i: (0, 0, i, 0)),
            pl.BlockSpec((blk, 128), lambda i: (i, 0)),
            pl.BlockSpec((2, 128, 128), lambda i: (0, 0, 0)),
            pl.BlockSpec((128, 128), lambda i: (0, 0)),
            pl.BlockSpec((1, 128), lambda i: (0, 0)),
        ],
        out_specs=pl.BlockSpec((blk, 128), lambda i: (i, 0)),
        out_shape=jax.ShapeDtypeStruct((n, 128), jnp.float32),
    )(sp, xin, W, lw, b)


def kernel(feat, edge_index, etype, W1, loopW1, b1, W2, loopW2, b2):
    n = feat.shape[0]
    e = edge_index.shape[1]
    n2 = 2 * n

    nch_per_sub = -(-e // (NSUB * CH))
    e_pad = nch_per_sub * NSUB * CH
    nchunk = e_pad // CH
    acc_rows = -(-(n2 + 1) // (NSUB * CH)) * (NSUB * CH)

    src = edge_index[0].astype(jnp.int32)
    dst = edge_index[1].astype(jnp.int32)
    et = etype.astype(jnp.int32)
    pad = e_pad - e
    gidx = jnp.concatenate([2 * src, jnp.zeros((pad,), jnp.int32)])
    gsrc2 = jnp.concatenate([gidx, gidx + 1]).reshape(2 * nchunk, CH)
    sidx1 = jnp.concatenate(
        [et * n + dst, jnp.full((pad,), n2, jnp.int32)]).reshape(nchunk, CH)
    midx = jnp.stack(
        [gsrc2, jnp.concatenate([sidx1, sidx1])], axis=1
    ).reshape(4 * nchunk, CH)

    sc = functools.partial(_sc_segment_sum, n_nodes=n,
                           nch_per_sub=nch_per_sub, acc_rows=acc_rows)

    sp1 = sc(feat.reshape(n2, 64), midx).reshape(2, 2, n, 64)
    h = _tc_layer(sp1, feat, W1, loopW1, b1.reshape(1, 128), relu=True)
    sp2 = sc(h.reshape(n2, 64), midx).reshape(2, 2, n, 64)
    out = _tc_layer(sp2, h, W2, loopW2, b2.reshape(1, 128), relu=False)
    return out

# --- scband reference (transcript-rebuilt; emitter-appended) ---
"""Pipeline reference for scband-encoder-74517682586048 (READ-ONLY COPY).

The authoritative reference and input builder live on the scoring server;
editing this copy changes nothing except your own understanding.
"""

import jax, jax.numpy as jnp
import numpy as np

IN_FEATS = 128
H_FEATS = 128
OUT_FEATS = 128
NUM_RELS = 2
N_NODES = 10000
N_EDGES = 320000


def setup_inputs(seed: int = 0) -> dict:
    key = jax.random.key(seed)
    ks = jax.random.split(key, 10)
    feat = jax.random.normal(ks[0], (N_NODES, IN_FEATS), dtype=jnp.float32)
    edge_index = jax.random.randint(ks[1], (2, N_EDGES), 0, N_NODES, dtype=jnp.int64)
    etype = jax.random.randint(ks[2], (N_EDGES,), 0, NUM_RELS, dtype=jnp.int64)
    s1 = 1.0 / np.sqrt(IN_FEATS)
    s2 = 1.0 / np.sqrt(H_FEATS)
    W1 = jax.random.uniform(ks[3], (NUM_RELS, IN_FEATS, H_FEATS), dtype=jnp.float32, minval=-s1, maxval=s1)
    loopW1 = jax.random.uniform(ks[4], (IN_FEATS, H_FEATS), dtype=jnp.float32, minval=-s1, maxval=s1)
    b1 = jnp.zeros((H_FEATS,), dtype=jnp.float32)
    W2 = jax.random.uniform(ks[5], (NUM_RELS, H_FEATS, OUT_FEATS), dtype=jnp.float32, minval=-s2, maxval=s2)
    loopW2 = jax.random.uniform(ks[6], (H_FEATS, OUT_FEATS), dtype=jnp.float32, minval=-s2, maxval=s2)
    b2 = jnp.zeros((OUT_FEATS,), dtype=jnp.float32)
    return {"feat": feat, "edge_index": edge_index, "etype": etype,
            "W1": W1, "loopW1": loopW1, "b1": b1,
            "W2": W2, "loopW2": loopW2, "b2": b2}


def _rel_graph_conv(x, src, dst, etype, W, loopW, b, n_nodes):
    # DGL RelGraphConv (regularizer=None, self_loop=True, bias=True):
    # message m_e = x[src_e] @ W[etype_e]; aggregate sum into dst; plus self-loop and bias.
    xw = jnp.einsum('ni,rio->rno', x, W)        # [R, N, out] per-relation transform
    m = xw[etype, src]                           # [E, out] gather per edge
    agg = jax.ops.segment_sum(m, dst, num_segments=n_nodes)  # scatter-add by dst
    return agg + x @ loopW + b


def reference(feat, edge_index, etype, W1, loopW1, b1, W2, loopW2, b2):
    n_nodes = feat.shape[0]
    src = edge_index[0]
    dst = edge_index[1]
    h = _rel_graph_conv(feat, src, dst, etype, W1, loopW1, b1, n_nodes)
    h = jax.nn.relu(h)
    h = _rel_graph_conv(h, src, dst, etype, W2, loopW2, b2, n_nodes)
    return h

if __name__ == "__main__":
    import jax
    _d = setup_inputs()
    print(jax.jit(kernel)(*tuple(_d.values())))

</pallas_src>

<mosaic_0001>
#map = affine_map<(d0, d1) -> (0, 0)>
module attributes {stable_mosaic.version = 14 : i64} {
  func.func @k(%arg0: i32, %arg1: i32, %arg2: memref<20000x64xf32, #tpu.memory_space<hbm>>, %arg3: memref<10048x128xi32, #tpu.memory_space<hbm>>, %arg4: memref<40000x64xf32, #tpu.memory_space<hbm>>, %arg5: memref<2x128xi32, #tpu.memory_space<vmem>>, %arg6: memref<128x64xf32, #tpu.memory_space<vmem>>, %arg7: memref<20480x64xf32, #tpu.memory_space<vmem_shared>>, %arg8: memref<!tpu.dma_semaphore, #tpu.memory_space<semaphore_mem>>) attributes {dimension_semantics = [#tpu.dimension_semantics<core_parallel>, #tpu.dimension_semantics<subcore_parallel>], iteration_bounds = array<i64: 2, 16>, scalar_prefetch = 0 : i64, scratch_operands = 4 : i64, tpu.core_type = #tpu.core_type<sc_vector_subcore>, window_params = [{transform_indices = #map}, {transform_indices = #map}, {transform_indices = #map}]} {
    %scan3A = arith.constant 0 : i32
    %scan3A_0 = arith.constant 0 : i32
    %scan3A_1 = arith.constant 512 : i32
    %scan3A_2 = arith.addi %scan3A_0, %scan3A_1 : i32
    %scan3A_3 = arith.constant 1 : i32
    scf.for %scan3A_23 = %scan3A_0 to %scan3A_2 step %scan3A_3  : i32 {
      %broadcast_in_dim3A = arith.constant 0.000000e+00 : f32
      %broadcast_in_dim3A_24 = vector.broadcast %broadcast_in_dim3A : f32 to vector<16xf32>
      %jit3A = arith.constant 4 : i32
      %div3A = arith.divsi %scan3A_23, %jit3A : i32
      %sign3A = arith.constant 0 : i32
      %sign3A_25 = arith.cmpi sgt, %scan3A_23, %sign3A : i32
      %sign3A_26 = arith.extui %sign3A_25 : i1 to i32
      %sign3A_27 = arith.constant 0 : i32
      %sign3A_28 = arith.cmpi slt, %scan3A_23, %sign3A_27 : i32
      %sign3A_29 = arith.extui %sign3A_28 : i1 to i32
      %sign3A_30 = arith.subi %sign3A_26, %sign3A_29 : i32
      %sign3A_31 = arith.constant 0 : i32
      %sign3A_32 = arith.cmpi sgt, %jit3A, %sign3A_31 : i32
      %sign3A_33 = arith.extui %sign3A_32 : i1 to i32
      %sign3A_34 = arith.constant 0 : i32
      %sign3A_35 = arith.cmpi slt, %jit3A, %sign3A_34 : i32
      %sign3A_36 = arith.extui %sign3A_35 : i1 to i32
      %sign3A_37 = arith.subi %sign3A_33, %sign3A_36 : i32
      %ne3A = arith.cmpi ne, %sign3A_30, %sign3A_37 : i32
      %rem3A = arith.remsi %scan3A_23, %jit3A : i32
      %ne3A_38 = arith.constant 0 : i32
      %ne3A_39 = arith.cmpi ne, %rem3A, %ne3A_38 : i32
      %and3A = arith.andi %ne3A, %ne3A_39 : i1
      %sub3A = arith.constant 1 : i32
      %sub3A_40 = arith.subi %div3A, %sub3A : i32
      %select_n3A = arith.select %and3A, %sub3A_40, %div3A : i32
      %jit3A_41 = arith.constant 4 : i32
      %eq3A = arith.constant 0 : i32
      %eq3A_42 = arith.cmpi eq, %jit3A_41, %eq3A : i32
      %jit3A_43 = arith.constant 1 : i32
      %select_n3A_44 = arith.select %eq3A_42, %jit3A_43, %jit3A_41 : i32
      %rem3A_45 = arith.remsi %scan3A_23, %select_n3A_44 : i32
      %ne3A_46 = arith.constant 0 : i32
      %ne3A_47 = arith.cmpi ne, %rem3A_45, %ne3A_46 : i32
      %lt3A = arith.constant 0 : i32
      %lt3A_48 = arith.cmpi slt, %rem3A_45, %lt3A : i32
      %lt3A_49 = arith.constant 0 : i32
      %lt3A_50 = arith.cmpi slt, %select_n3A_44, %lt3A_49 : i32
      %ne3A_51 = arith.xori %lt3A_48, %lt3A_50 : i1
      %and3A_52 = arith.andi %ne3A_51, %ne3A_47 : i1
      %add3A_53 = arith.addi %rem3A_45, %select_n3A_44 : i32
      %select_n3A_54 = arith.select %and3A_52, %add3A_53, %rem3A_45 : i32
      %mul3A_55 = arith.constant 16 : i32
      %mul3A_56 = arith.muli %select_n3A_54, %mul3A_55 : i32
      %swap3A = arith.index_cast %select_n3A : i32 to index
      %swap3A_57 = arith.index_cast %mul3A_56 : i32 to index
      %swap3A_58 = tpu.vector_load %arg6[%swap3A, %swap3A_57] {strides = array<i32>} : memref<128x64xf32, #tpu.memory_space<vmem>>, vector<1x16xf32>,
      %swap3A_59 = vector.shape_cast %swap3A_58 : vector<1x16xf32> to vector<16xf32>
      %swap3A_60 = vector.shape_cast %broadcast_in_dim3A_24 : vector<16xf32> to vector<1x16xf32>
      tpu.vector_store %arg6[%swap3A, %swap3A_57], %swap3A_60 {strides = array<i32>} : memref<128x64xf32, #tpu.memory_space<vmem>>, vector<1x16xf32>,
    }
    %scan3A_4 = arith.constant 512 : i32
    %scan3A_5 = arith.constant 0 : i32
    %scan3A_6 = arith.constant 0 : i32
    %scan3A_7 = arith.constant 10 : i32
    %scan3A_8 = arith.addi %scan3A_6, %scan3A_7 : i32
    %scan3A_9 = arith.constant 1 : i32
    scf.for %scan3A_23 = %scan3A_6 to %scan3A_8 step %scan3A_9  : i32 {
      %mul3A_24 = arith.constant 10 : i32
      %mul3A_25 = arith.muli %arg1, %mul3A_24 : i32
      %add3A_26 = arith.addi %mul3A_25, %scan3A_23 : i32
      %mul3A_27 = arith.constant 128 : i32
      %mul3A_28 = arith.muli %add3A_26, %mul3A_27 : i32
      "tpu.region"() ({
        %run_scoped3A = tpu.sem_alloc : memref<!tpu.dma_semaphore, #tpu.memory_space<semaphore_mem>>
        %dma_start3A = arith.constant 0 : i32
        %dma_start3A_29 = tpu.memref_slice %arg7[%mul3A_28, %dma_start3A] : memref<20480x64xf32, #tpu.memory_space<vmem_shared>> -> memref<128x64xf32, #tpu.memory_space<vmem_shared>>
        %dma_start3A_30 = arith.constant 0 : i32
        %dma_start3A_31 = tpu.memref_slice %arg7[%mul3A_28, %dma_start3A_30] : memref<20480x64xf32, #tpu.memory_space<vmem_shared>> -> memref<128x64xf32, #tpu.memory_space<vmem_shared>>
        tpu.enqueue_dma source(%arg6 : memref<128x64xf32, #tpu.memory_space<vmem>>) target(%dma_start3A_31 : memref<128x64xf32, #tpu.memory_space<vmem_shared>>) target_semaphore(%run_scoped3A : memref<!tpu.dma_semaphore, #tpu.memory_space<semaphore_mem>>)
        %dma_wait3A = arith.constant 0 : i32
        %dma_wait3A_32 = tpu.memref_slice %arg7[%mul3A_28, %dma_wait3A] : memref<20480x64xf32, #tpu.memory_space<vmem_shared>> -> memref<128x64xf32, #tpu.memory_space<vmem_shared>>
        %dma_wait3A_33 = arith.constant 0 : i32
        %dma_wait3A_34 = tpu.memref_slice %arg7[%mul3A_28, %dma_wait3A_33] : memref<20480x64xf32, #tpu.memory_space<vmem_shared>> -> memref<128x64xf32, #tpu.memory_space<vmem_shared>>
        tpu.wait_dma2 semaphore(%run_scoped3A : memref<!tpu.dma_semaphore, #tpu.memory_space<semaphore_mem>>) src(%arg6 : memref<128x64xf32, #tpu.memory_space<vmem>>) dst(%dma_wait3A_34 : memref<128x64xf32, #tpu.memory_space<vmem_shared>>)
        tpu.yield
      }) : () -> ()
    }
    %scan3A_10 = arith.constant 10 : i32
    %barrier3A = arith.constant 0 : index
    tpu.barrier barrier_id(%barrier3A)
    %scan3A_11 = arith.constant 0 : i32
    %scan3A_12 = arith.constant 0 : i32
    %scan3A_13 = arith.constant 157 : i32
    %scan3A_14 = arith.addi %scan3A_12, %scan3A_13 : i32
    %scan3A_15 = arith.constant 1 : i32
    scf.for %scan3A_23 = %scan3A_12 to %scan3A_14 step %scan3A_15  : i32 {
      %mul3A_24 = arith.constant 2512 : i32
      %mul3A_25 = arith.muli %arg0, %mul3A_24 : i32
      %mul3A_26 = arith.constant 157 : i32
      %mul3A_27 = arith.muli %arg1, %mul3A_26 : i32
      %add3A_28 = arith.addi %mul3A_25, %mul3A_27 : i32
      %add3A_29 = arith.addi %add3A_28, %scan3A_23 : i32
      %mul3A_30 = arith.constant 2 : i32
      %mul3A_31 = arith.muli %mul3A_30, %add3A_29 : i32
      "tpu.region"() ({
        %run_scoped3A_44 = tpu.sem_alloc : memref<!tpu.dma_semaphore, #tpu.memory_space<semaphore_mem>>
        %dma_start3A_45 = arith.constant 0 : i32
        %dma_start3A_46 = tpu.memref_slice %arg3[%mul3A_31, %dma_start3A_45] : memref<10048x128xi32, #tpu.memory_space<hbm>> -> memref<2x128xi32, #tpu.memory_space<hbm>>
        %dma_start3A_47 = arith.constant 0 : i32
        %dma_start3A_48 = tpu.memref_slice %arg3[%mul3A_31, %dma_start3A_47] : memref<10048x128xi32, #tpu.memory_space<hbm>> -> memref<2x128xi32, #tpu.memory_space<hbm>>
        tpu.enqueue_dma source(%dma_start3A_48 : memref<2x128xi32, #tpu.memory_space<hbm>>) target(%arg5 : memref<2x128xi32, #tpu.memory_space<vmem>>) target_semaphore(%run_scoped3A_44 : memref<!tpu.dma_semaphore, #tpu.memory_space<semaphore_mem>>)
        %dma_wait3A_49 = arith.constant 0 : i32
        %dma_wait3A_50 = tpu.memref_slice %arg3[%mul3A_31, %dma_wait3A_49] : memref<10048x128xi32, #tpu.memory_space<hbm>> -> memref<2x128xi32, #tpu.memory_space<hbm>>
        %dma_wait3A_51 = arith.constant 0 : i32
        %dma_wait3A_52 = tpu.memref_slice %arg3[%mul3A_31, %dma_wait3A_51] : memref<10048x128xi32, #tpu.memory_space<hbm>> -> memref<2x128xi32, #tpu.memory_space<hbm>>
        tpu.wait_dma2 semaphore(%run_scoped3A_44 : memref<!tpu.dma_semaphore, #tpu.memory_space<semaphore_mem>>) src(%dma_wait3A_52 : memref<2x128xi32, #tpu.memory_space<hbm>>) dst(%arg5 : memref<2x128xi32, #tpu.memory_space<vmem>>)
        tpu.yield
      }) : () -> ()
      %dma_start3A = arith.constant 0 : i32
      %dma_start3A_32 = arith.constant 0 : i32
      %dma_start3A_33 = tpu.memref_slice %arg5[%dma_start3A, %dma_start3A_32] : memref<2x128xi32, #tpu.memory_space<vmem>> -> memref<1x128xi32, #tpu.memory_space<vmem>>
      %dma_start3A_34 = tpu.memref_squeeze %dma_start3A_33 : memref<1x128xi32, #tpu.memory_space<vmem>> -> memref<128xi32, #tpu.memory_space<vmem>>
      %dma_start3A_35 = arith.constant 0 : i32
      %dma_start3A_36 = arith.constant 0 : i32
      %dma_start3A_37 = tpu.memref_slice %arg2[%dma_start3A_35, %dma_start3A_36] : memref<20000x64xf32, #tpu.memory_space<hbm>> -> memref<20000x64xf32, #tpu.memory_space<hbm>>
      tpu.enqueue_indirect_dma source(%dma_start3A_37 : memref<20000x64xf32, #tpu.memory_space<hbm>>) target(%arg6 : memref<128x64xf32, #tpu.memory_space<vmem>>) offsets(%dma_start3A_34 : memref<128xi32, #tpu.memory_space<vmem>>) semaphore(%arg8 : memref<!tpu.dma_semaphore, #tpu.memory_space<semaphore_mem>>)
      %dma_wait3A = arith.constant 0 : i32
      %dma_wait3A_38 = arith.constant 0 : i32
      %dma_wait3A_39 = tpu.memref_slice %arg5[%dma_wait3A, %dma_wait3A_38] : memref<2x128xi32, #tpu.memory_space<vmem>> -> memref<1x128xi32, #tpu.memory_space<vmem>>
      %dma_wait3A_40 = tpu.memref_squeeze %dma_wait3A_39 : memref<1x128xi32, #tpu.memory_space<vmem>> -> memref<128xi32, #tpu.memory_space<vmem>>
      %dma_wait3A_41 = arith.constant 0 : i32
      %dma_wait3A_42 = arith.constant 0 : i32
      %dma_wait3A_43 = tpu.memref_slice %arg2[%dma_wait3A_41, %dma_wait3A_42] : memref<20000x64xf32, #tpu.memory_space<hbm>> -> memref<20000x64xf32, #tpu.memory_space<hbm>>
      tpu.wait_indirect_dma semaphore(%arg8 : memref<!tpu.dma_semaphore, #tpu.memory_space<semaphore_mem>>) src(%dma_wait3A_43 : memref<20000x64xf32, #tpu.memory_space<hbm>>) dst(%arg6 : memref<128x64xf32, #tpu.memory_space<vmem>>)
      %run_scoped3A = arith.constant 1 : i32
      "tpu.region"() ({
        %run_scoped3A_44 = tpu.sem_alloc : memref<!tpu.dma_semaphore, #tpu.memory_space<semaphore_mem>>
        %dma_start3A_45 = arith.constant 0 : i32
        %dma_start3A_46 = tpu.memref_slice %arg5[%run_scoped3A, %dma_start3A_45] : memref<2x128xi32, #tpu.memory_space<vmem>> -> memref<1x128xi32, #tpu.memory_space<vmem>>
        %dma_start3A_47 = tpu.memref_squeeze %dma_start3A_46 : memref<1x128xi32, #tpu.memory_space<vmem>> -> memref<128xi32, #tpu.memory_space<vmem>>
        %dma_start3A_48 = arith.constant 0 : i32
        %dma_start3A_49 = arith.constant 0 : i32
        %dma_start3A_50 = tpu.memref_slice %arg7[%dma_start3A_48, %dma_start3A_49] : memref<20480x64xf32, #tpu.memory_space<vmem_shared>> -> memref<20480x64xf32, #tpu.memory_space<vmem_shared>>
        tpu.enqueue_indirect_dma source(%arg6 : memref<128x64xf32, #tpu.memory_space<vmem>>) target(%dma_start3A_50 : memref<20480x64xf32, #tpu.memory_space<vmem_shared>>) offsets(%dma_start3A_47 : memref<128xi32, #tpu.memory_space<vmem>>) semaphore(%run_scoped3A_44 : memref<!tpu.dma_semaphore, #tpu.memory_space<semaphore_mem>>) {add = true}
        %dma_wait3A_51 = arith.constant 0 : i32
        %dma_wait3A_52 = tpu.memref_slice %arg5[%run_scoped3A, %dma_wait3A_51] : memref<2x128xi32, #tpu.memory_space<vmem>> -> memref<1x128xi32, #tpu.memory_space<vmem>>
        %dma_wait3A_53 = tpu.memref_squeeze %dma_wait3A_52 : memref<1x128xi32, #tpu.memory_space<vmem>> -> memref<128xi32, #tpu.memory_space<vmem>>
        %dma_wait3A_54 = arith.constant 0 : i32
        %dma_wait3A_55 = arith.constant 0 : i32
        %dma_wait3A_56 = tpu.memref_slice %arg7[%dma_wait3A_54, %dma_wait3A_55] : memref<20480x64xf32, #tpu.memory_space<vmem_shared>> -> memref<20480x64xf32, #tpu.memory_space<vmem_shared>>
        tpu.wait_indirect_dma semaphore(%run_scoped3A_44 : memref<!tpu.dma_semaphore, #tpu.memory_space<semaphore_mem>>) src(%arg6 : memref<128x64xf32, #tpu.memory_space<vmem>>) dst(%dma_wait3A_56 : memref<20480x64xf32, #tpu.memory_space<vmem_shared>>)
        tpu.yield
      }) : () -> ()
    }
    %scan3A_16 = arith.constant 157 : i32
    %barrier3A_17 = arith.constant 0 : index
    tpu.barrier barrier_id(%barrier3A_17)
    %mul3A = arith.constant 1250 : i32
    %mul3A_18 = arith.muli %arg1, %mul3A : i32
    %mul3A_19 = arith.constant 20000 : i32
    %mul3A_20 = arith.muli %arg0, %mul3A_19 : i32
    %mul3A_21 = arith.constant 1250 : i32
    %mul3A_22 = arith.muli %arg1, %mul3A_21 : i32
    %add3A = arith.addi %mul3A_20, %mul3A_22 : i32
    "tpu.region"() ({
      %run_scoped3A = tpu.sem_alloc : memref<!tpu.dma_semaphore, #tpu.memory_space<semaphore_mem>>
      %dma_start3A = arith.constant 0 : i32
      %dma_start3A_23 = tpu.memref_slice %arg4[%add3A, %dma_start3A] : memref<40000x64xf32, #tpu.memory_space<hbm>> -> memref<1250x64xf32, #tpu.memory_space<hbm>>
      %dma_start3A_24 = arith.constant 0 : i32
      %dma_start3A_25 = tpu.memref_slice %arg7[%mul3A_18, %dma_start3A_24] : memref<20480x64xf32, #tpu.memory_space<vmem_shared>> -> memref<1250x64xf32, #tpu.memory_space<vmem_shared>>
      tpu.enqueue_dma source(%dma_start3A_25 : memref<1250x64xf32, #tpu.memory_space<vmem_shared>>) target(%dma_start3A_23 : memref<1250x64xf32, #tpu.memory_space<hbm>>) target_semaphore(%run_scoped3A : memref<!tpu.dma_semaphore, #tpu.memory_space<semaphore_mem>>)
      %dma_wait3A = arith.constant 0 : i32
      %dma_wait3A_26 = tpu.memref_slice %arg4[%add3A, %dma_wait3A] : memref<40000x64xf32, #tpu.memory_space<hbm>> -> memref<1250x64xf32, #tpu.memory_space<hbm>>
      %dma_wait3A_27 = arith.constant 0 : i32
      %dma_wait3A_28 = tpu.memref_slice %arg7[%mul3A_18, %dma_wait3A_27] : memref<20480x64xf32, #tpu.memory_space<vmem_shared>> -> memref<1250x64xf32, #tpu.memory_space<vmem_shared>>
      tpu.wait_dma2 semaphore(%run_scoped3A : memref<!tpu.dma_semaphore, #tpu.memory_space<semaphore_mem>>) src(%dma_wait3A_28 : memref<1250x64xf32, #tpu.memory_space<vmem_shared>>) dst(%dma_wait3A_26 : memref<1250x64xf32, #tpu.memory_space<hbm>>)
      tpu.yield
    }) : () -> ()
    return
  }
}

#map = affine_map<(d0, d1) -> (0, 0)>
module attributes {stable_mosaic.version = 14 : i64} {
  func.func @k(%arg0: i32, %arg1: i32, %arg2: memref<20000x64xf32, #tpu.memory_space<hbm>>, %arg3: memref<10048x128xi32, #tpu.memory_space<hbm>>, %arg4: memref<40000x64xf32, #tpu.memory_space<hbm>>, %arg5: memref<2x128xi32, #tpu.memory_space<vmem>>, %arg6: memref<128x64xf32, #tpu.memory_space<vmem>>, %arg7: memref<20480x64xf32, #tpu.memory_space<vmem_shared>>, %arg8: memref<!tpu.dma_semaphore, #tpu.memory_space<semaphore_mem>>) attributes {dimension_semantics = [#tpu.dimension_semantics<core_parallel>, #tpu.dimension_semantics<subcore_parallel>], iteration_bounds = array<i64: 2, 16>, scalar_prefetch = 0 : i64, scratch_operands = 4 : i64, tpu.core_type = #tpu.core_type<sc_vector_subcore>, window_params = [{transform_indices = #map}, {transform_indices = #map}, {transform_indices = #map}]} {
    %scan3A = arith.constant 0 : i32
    %scan3A_0 = arith.constant 0 : i32
    %scan3A_1 = arith.constant 512 : i32
    %scan3A_2 = arith.addi %scan3A_0, %scan3A_1 : i32
    %scan3A_3 = arith.constant 1 : i32
    scf.for %scan3A_23 = %scan3A_0 to %scan3A_2 step %scan3A_3  : i32 {
      %broadcast_in_dim3A = arith.constant 0.000000e+00 : f32
      %broadcast_in_dim3A_24 = vector.broadcast %broadcast_in_dim3A : f32 to vector<16xf32>
      %jit3A = arith.constant 4 : i32
      %div3A = arith.divsi %scan3A_23, %jit3A : i32
      %sign3A = arith.constant 0 : i32
      %sign3A_25 = arith.cmpi sgt, %scan3A_23, %sign3A : i32
      %sign3A_26 = arith.extui %sign3A_25 : i1 to i32
      %sign3A_27 = arith.constant 0 : i32
      %sign3A_28 = arith.cmpi slt, %scan3A_23, %sign3A_27 : i32
      %sign3A_29 = arith.extui %sign3A_28 : i1 to i32
      %sign3A_30 = arith.subi %sign3A_26, %sign3A_29 : i32
      %sign3A_31 = arith.constant 0 : i32
      %sign3A_32 = arith.cmpi sgt, %jit3A, %sign3A_31 : i32
      %sign3A_33 = arith.extui %sign3A_32 : i1 to i32
      %sign3A_34 = arith.constant 0 : i32
      %sign3A_35 = arith.cmpi slt, %jit3A, %sign3A_34 : i32
      %sign3A_36 = arith.extui %sign3A_35 : i1 to i32
      %sign3A_37 = arith.subi %sign3A_33, %sign3A_36 : i32
      %ne3A = arith.cmpi ne, %sign3A_30, %sign3A_37 : i32
      %rem3A = arith.remsi %scan3A_23, %jit3A : i32
      %ne3A_38 = arith.constant 0 : i32
      %ne3A_39 = arith.cmpi ne, %rem3A, %ne3A_38 : i32
      %and3A = arith.andi %ne3A, %ne3A_39 : i1
      %sub3A = arith.constant 1 : i32
      %sub3A_40 = arith.subi %div3A, %sub3A : i32
      %select_n3A = arith.select %and3A, %sub3A_40, %div3A : i32
      %jit3A_41 = arith.constant 4 : i32
      %eq3A = arith.constant 0 : i32
      %eq3A_42 = arith.cmpi eq, %jit3A_41, %eq3A : i32
      %jit3A_43 = arith.constant 1 : i32
      %select_n3A_44 = arith.select %eq3A_42, %jit3A_43, %jit3A_41 : i32
      %rem3A_45 = arith.remsi %scan3A_23, %select_n3A_44 : i32
      %ne3A_46 = arith.constant 0 : i32
      %ne3A_47 = arith.cmpi ne, %rem3A_45, %ne3A_46 : i32
      %lt3A = arith.constant 0 : i32
      %lt3A_48 = arith.cmpi slt, %rem3A_45, %lt3A : i32
      %lt3A_49 = arith.constant 0 : i32
      %lt3A_50 = arith.cmpi slt, %select_n3A_44, %lt3A_49 : i32
      %ne3A_51 = arith.xori %lt3A_48, %lt3A_50 : i1
      %and3A_52 = arith.andi %ne3A_51, %ne3A_47 : i1
      %add3A_53 = arith.addi %rem3A_45, %select_n3A_44 : i32
      %select_n3A_54 = arith.select %and3A_52, %add3A_53, %rem3A_45 : i32
      %mul3A_55 = arith.constant 16 : i32
      %mul3A_56 = arith.muli %select_n3A_54, %mul3A_55 : i32
      %swap3A = arith.index_cast %select_n3A : i32 to index
      %swap3A_57 = arith.index_cast %mul3A_56 : i32 to index
      %swap3A_58 = tpu.vector_load %arg6[%swap3A, %swap3A_57] {strides = array<i32>} : memref<128x64xf32, #tpu.memory_space<vmem>>, vector<1x16xf32>,
      %swap3A_59 = vector.shape_cast %swap3A_58 : vector<1x16xf32> to vector<16xf32>
      %swap3A_60 = vector.shape_cast %broadcast_in_dim3A_24 : vector<16xf32> to vector<1x16xf32>
      tpu.vector_store %arg6[%swap3A, %swap3A_57], %swap3A_60 {strides = array<i32>} : memref<128x64xf32, #tpu.memory_space<vmem>>, vector<1x16xf32>,
    }
    %scan3A_4 = arith.constant 512 : i32
    %scan3A_5 = arith.constant 0 : i32
    %scan3A_6 = arith.constant 0 : i32
    %scan3A_7 = arith.constant 10 : i32
    %scan3A_8 = arith.addi %scan3A_6, %scan3A_7 : i32
    %scan3A_9 = arith.constant 1 : i32
    scf.for %scan3A_23 = %scan3A_6 to %scan3A_8 step %scan3A_9  : i32 {
      %mul3A_24 = arith.constant 10 : i32
      %mul3A_25 = arith.muli %arg1, %mul3A_24 : i32
      %add3A_26 = arith.addi %mul3A_25, %scan3A_23 : i32
      %mul3A_27 = arith.constant 128 : i32
      %mul3A_28 = arith.muli %add3A_26, %mul3A_27 : i32
      "tpu.region"() ({
        %run_scoped3A = tpu.sem_alloc : memref<!tpu.dma_semaphore, #tpu.memory_space<semaphore_mem>>
        %dma_start3A = arith.constant 0 : i32
        %dma_start3A_29 = tpu.memref_slice %arg7[%mul3A_28, %dma_start3A] : memref<20480x64xf32, #tpu.memory_space<vmem_shared>> -> memref<128x64xf32, #tpu.memory_space<vmem_shared>>
        %dma_start3A_30 = arith.constant 0 : i32
        %dma_start3A_31 = tpu.memref_slice %arg7[%mul3A_28, %dma_start3A_30] : memref<20480x64xf32, #tpu.memory_space<vmem_shared>> -> memref<128x64xf32, #tpu.memory_space<vmem_shared>>
        tpu.enqueue_dma source(%arg6 : memref<128x64xf32, #tpu.memory_space<vmem>>) target(%dma_start3A_31 : memref<128x64xf32, #tpu.memory_space<vmem_shared>>) target_semaphore(%run_scoped3A : memref<!tpu.dma_semaphore, #tpu.memory_space<semaphore_mem>>)
        %dma_wait3A = arith.constant 0 : i32
        %dma_wait3A_32 = tpu.memref_slice %arg7[%mul3A_28, %dma_wait3A] : memref<20480x64xf32, #tpu.memory_space<vmem_shared>> -> memref<128x64xf32, #tpu.memory_space<vmem_shared>>
        %dma_wait3A_33 = arith.constant 0 : i32
        %dma_wait3A_34 = tpu.memref_slice %arg7[%mul3A_28, %dma_wait3A_33] : memref<20480x64xf32, #tpu.memory_space<vmem_shared>> -> memref<128x64xf32, #tpu.memory_space<vmem_shared>>
        tpu.wait_dma2 semaphore(%run_scoped3A : memref<!tpu.dma_semaphore, #tpu.memory_space<semaphore_mem>>) src(%arg6 : memref<128x64xf32, #tpu.memory_space<vmem>>) dst(%dma_wait3A_34 : memref<128x64xf32, #tpu.memory_space<vmem_shared>>)
        tpu.yield
      }) : () -> ()
    }
    %scan3A_10 = arith.constant 10 : i32
    %barrier3A = arith.constant 0 : index
    tpu.barrier barrier_id(%barrier3A)
    %scan3A_11 = arith.constant 0 : i32
    %scan3A_12 = arith.constant 0 : i32
    %scan3A_13 = arith.constant 157 : i32
    %scan3A_14 = arith.addi %scan3A_12, %scan3A_13 : i32
    %scan3A_15 = arith.constant 1 : i32
    scf.for %scan3A_23 = %scan3A_12 to %scan3A_14 step %scan3A_15  : i32 {
      %mul3A_24 = arith.constant 2512 : i32
      %mul3A_25 = arith.muli %arg0, %mul3A_24 : i32
      %mul3A_26 = arith.constant 157 : i32
      %mul3A_27 = arith.muli %arg1, %mul3A_26 : i32
      %add3A_28 = arith.addi %mul3A_25, %mul3A_27 : i32
      %add3A_29 = arith.addi %add3A_28, %scan3A_23 : i32
      %mul3A_30 = arith.constant 2 : i32
      %mul3A_31 = arith.muli %mul3A_30, %add3A_29 : i32
      "tpu.region"() ({
        %run_scoped3A_44 = tpu.sem_alloc : memref<!tpu.dma_semaphore, #tpu.memory_space<semaphore_mem>>
        %dma_start3A_45 = arith.constant 0 : i32
        %dma_start3A_46 = tpu.memref_slice %arg3[%mul3A_31, %dma_start3A_45] : memref<10048x128xi32, #tpu.memory_space<hbm>> -> memref<2x128xi32, #tpu.memory_space<hbm>>
        %dma_start3A_47 = arith.constant 0 : i32
        %dma_start3A_48 = tpu.memref_slice %arg3[%mul3A_31, %dma_start3A_47] : memref<10048x128xi32, #tpu.memory_space<hbm>> -> memref<2x128xi32, #tpu.memory_space<hbm>>
        tpu.enqueue_dma source(%dma_start3A_48 : memref<2x128xi32, #tpu.memory_space<hbm>>) target(%arg5 : memref<2x128xi32, #tpu.memory_space<vmem>>) target_semaphore(%run_scoped3A_44 : memref<!tpu.dma_semaphore, #tpu.memory_space<semaphore_mem>>)
        %dma_wait3A_49 = arith.constant 0 : i32
        %dma_wait3A_50 = tpu.memref_slice %arg3[%mul3A_31, %dma_wait3A_49] : memref<10048x128xi32, #tpu.memory_space<hbm>> -> memref<2x128xi32, #tpu.memory_space<hbm>>
        %dma_wait3A_51 = arith.constant 0 : i32
        %dma_wait3A_52 = tpu.memref_slice %arg3[%mul3A_31, %dma_wait3A_51] : memref<10048x128xi32, #tpu.memory_space<hbm>> -> memref<2x128xi32, #tpu.memory_space<hbm>>
        tpu.wait_dma2 semaphore(%run_scoped3A_44 : memref<!tpu.dma_semaphore, #tpu.memory_space<semaphore_mem>>) src(%dma_wait3A_52 : memref<2x128xi32, #tpu.memory_space<hbm>>) dst(%arg5 : memref<2x128xi32, #tpu.memory_space<vmem>>)
        tpu.yield
      }) : () -> ()
      %dma_start3A = arith.constant 0 : i32
      %dma_start3A_32 = arith.constant 0 : i32
      %dma_start3A_33 = tpu.memref_slice %arg5[%dma_start3A, %dma_start3A_32] : memref<2x128xi32, #tpu.memory_space<vmem>> -> memref<1x128xi32, #tpu.memory_space<vmem>>
      %dma_start3A_34 = tpu.memref_squeeze %dma_start3A_33 : memref<1x128xi32, #tpu.memory_space<vmem>> -> memref<128xi32, #tpu.memory_space<vmem>>
      %dma_start3A_35 = arith.constant 0 : i32
      %dma_start3A_36 = arith.constant 0 : i32
      %dma_start3A_37 = tpu.memref_slice %arg2[%dma_start3A_35, %dma_start3A_36] : memref<20000x64xf32, #tpu.memory_space<hbm>> -> memref<20000x64xf32, #tpu.memory_space<hbm>>
      tpu.enqueue_indirect_dma source(%dma_start3A_37 : memref<20000x64xf32, #tpu.memory_space<hbm>>) target(%arg6 : memref<128x64xf32, #tpu.memory_space<vmem>>) offsets(%dma_start3A_34 : memref<128xi32, #tpu.memory_space<vmem>>) semaphore(%arg8 : memref<!tpu.dma_semaphore, #tpu.memory_space<semaphore_mem>>)
      %dma_wait3A = arith.constant 0 : i32
      %dma_wait3A_38 = arith.constant 0 : i32
      %dma_wait3A_39 = tpu.memref_slice %arg5[%dma_wait3A, %dma_wait3A_38] : memref<2x128xi32, #tpu.memory_space<vmem>> -> memref<1x128xi32, #tpu.memory_space<vmem>>
      %dma_wait3A_40 = tpu.memref_squeeze %dma_wait3A_39 : memref<1x128xi32, #tpu.memory_space<vmem>> -> memref<128xi32, #tpu.memory_space<vmem>>
      %dma_wait3A_41 = arith.constant 0 : i32
      %dma_wait3A_42 = arith.constant 0 : i32
      %dma_wait3A_43 = tpu.memref_slice %arg2[%dma_wait3A_41, %dma_wait3A_42] : memref<20000x64xf32, #tpu.memory_space<hbm>> -> memref<20000x64xf32, #tpu.memory_space<hbm>>
      tpu.wait_indirect_dma semaphore(%arg8 : memref<!tpu.dma_semaphore, #tpu.memory_space<semaphore_mem>>) src(%dma_wait3A_43 : memref<20000x64xf32, #tpu.memory_space<hbm>>) dst(%arg6 : memref<128x64xf32, #tpu.memory_space<vmem>>)
      %run_scoped3A = arith.constant 1 : i32
      "tpu.region"() ({
        %run_scoped3A_44 = tpu.sem_alloc : memref<!tpu.dma_semaphore, #tpu.memory_space<semaphore_mem>>
        %dma_start3A_45 = arith.constant 0 : i32
        %dma_start3A_46 = tpu.memref_slice %arg5[%run_scoped3A, %dma_start3A_45] : memref<2x128xi32, #tpu.memory_space<vmem>> -> memref<1x128xi32, #tpu.memory_space<vmem>>
        %dma_start3A_47 = tpu.memref_squeeze %dma_start3A_46 : memref<1x128xi32, #tpu.memory_space<vmem>> -> memref<128xi32, #tpu.memory_space<vmem>>
        %dma_start3A_48 = arith.constant 0 : i32
        %dma_start3A_49 = arith.constant 0 : i32
        %dma_start3A_50 = tpu.memref_slice %arg7[%dma_start3A_48, %dma_start3A_49] : memref<20480x64xf32, #tpu.memory_space<vmem_shared>> -> memref<20480x64xf32, #tpu.memory_space<vmem_shared>>
        tpu.enqueue_indirect_dma source(%arg6 : memref<128x64xf32, #tpu.memory_space<vmem>>) target(%dma_start3A_50 : memref<20480x64xf32, #tpu.memory_space<vmem_shared>>) offsets(%dma_start3A_47 : memref<128xi32, #tpu.memory_space<vmem>>) semaphore(%run_scoped3A_44 : memref<!tpu.dma_semaphore, #tpu.memory_space<semaphore_mem>>) {add = true}
        %dma_wait3A_51 = arith.constant 0 : i32
        %dma_wait3A_52 = tpu.memref_slice %arg5[%run_scoped3A, %dma_wait3A_51] : memref<2x128xi32, #tpu.memory_space<vmem>> -> memref<1x128xi32, #tpu.memory_space<vmem>>
        %dma_wait3A_53 = tpu.memref_squeeze %dma_wait3A_52 : memref<1x128xi32, #tpu.memory_space<vmem>> -> memref<128xi32, #tpu.memory_space<vmem>>
        %dma_wait3A_54 = arith.constant 0 : i32
        %dma_wait3A_55 = arith.constant 0 : i32
        %dma_wait3A_56 = tpu.memref_slice %arg7[%dma_wait3A_54, %dma_wait3A_55] : memref<20480x64xf32, #tpu.memory_space<vmem_shared>> -> memref<20480x64xf32, #tpu.memory_space<vmem_shared>>
        tpu.wait_indirect_dma semaphore(%run_scoped3A_44 : memref<!tpu.dma_semaphore, #tpu.memory_space<semaphore_mem>>) src(%arg6 : memref<128x64xf32, #tpu.memory_space<vmem>>) dst(%dma_wait3A_56 : memref<20480x64xf32, #tpu.memory_space<vmem_shared>>)
        tpu.yield
      }) : () -> ()
    }
    %scan3A_16 = arith.constant 157 : i32
    %barrier3A_17 = arith.constant 0 : index
    tpu.barrier barrier_id(%barrier3A_17)
    %mul3A = arith.constant 1250 : i32
    %mul3A_18 = arith.muli %arg1, %mul3A : i32
    %mul3A_19 = arith.constant 20000 : i32
    %mul3A_20 = arith.muli %arg0, %mul3A_19 : i32
    %mul3A_21 = arith.constant 1250 : i32
    %mul3A_22 = arith.muli %arg1, %mul3A_21 : i32
    %add3A = arith.addi %mul3A_20, %mul3A_22 : i32
    "tpu.region"() ({
      %run_scoped3A = tpu.sem_alloc : memref<!tpu.dma_semaphore, #tpu.memory_space<semaphore_mem>>
      %dma_start3A = arith.constant 0 : i32
      %dma_start3A_23 = tpu.memref_slice %arg4[%add3A, %dma_start3A] : memref<40000x64xf32, #tpu.memory_space<hbm>> -> memref<1250x64xf32, #tpu.memory_space<hbm>>
      %dma_start3A_24 = arith.constant 0 : i32
      %dma_start3A_25 = tpu.memref_slice %arg7[%mul3A_18, %dma_start3A_24] : memref<20480x64xf32, #tpu.memory_space<vmem_shared>> -> memref<1250x64xf32, #tpu.memory_space<vmem_shared>>
      tpu.enqueue_dma source(%dma_start3A_25 : memref<1250x64xf32, #tpu.memory_space<vmem_shared>>) target(%dma_start3A_23 : memref<1250x64xf32, #tpu.memory_space<hbm>>) target_semaphore(%run_scoped3A : memref<!tpu.dma_semaphore, #tpu.memory_space<semaphore_mem>>)
      %dma_wait3A = arith.constant 0 : i32
      %dma_wait3A_26 = tpu.memref_slice %arg4[%add3A, %dma_wait3A] : memref<40000x64xf32, #tpu.memory_space<hbm>> -> memref<1250x64xf32, #tpu.memory_space<hbm>>
      %dma_wait3A_27 = arith.constant 0 : i32
      %dma_wait3A_28 = tpu.memref_slice %arg7[%mul3A_18, %dma_wait3A_27] : memref<20480x64xf32, #tpu.memory_space<vmem_shared>> -> memref<1250x64xf32, #tpu.memory_space<vmem_shared>>
      tpu.wait_dma2 semaphore(%run_scoped3A : memref<!tpu.dma_semaphore, #tpu.memory_space<semaphore_mem>>) src(%dma_wait3A_28 : memref<1250x64xf32, #tpu.memory_space<vmem_shared>>) dst(%dma_wait3A_26 : memref<1250x64xf32, #tpu.memory_space<hbm>>)
      tpu.yield
    }) : () -> ()
    return
  }
}

module attributes {stable_mosaic.version = 14 : i64} {
  func.func @body(%arg0: i32, %arg1: memref<2x2x1000x64xf32, #tpu.memory_space<vmem>>, %arg2: memref<1000x128xf32, #tpu.memory_space<vmem>>, %arg3: memref<2x128x128xf32, #tpu.memory_space<vmem>>, %arg4: memref<128x128xf32, #tpu.memory_space<vmem>>, %arg5: memref<1x128xf32, #tpu.memory_space<vmem>>, %arg6: memref<1000x128xf32, #tpu.memory_space<vmem>>) attributes {dimension_semantics = [#tpu.dimension_semantics<arbitrary>], iteration_bounds = array<i64: 10>, scalar_prefetch = 0 : i64, scratch_operands = 0 : i64, tpu.core_type = #tpu.core_type<tc>, window_params = [{transform_indices = @transform_0, window_bounds = array<i64: 2, 2, 1000, 64>}, {transform_indices = @transform_1, window_bounds = array<i64: 1000, 128>}, {pipeline_mode = #tpu.pipeline_mode<synchronous>, transform_indices = @transform_2, window_bounds = array<i64: 2, 128, 128>}, {pipeline_mode = #tpu.pipeline_mode<synchronous>, transform_indices = @transform_3, window_bounds = array<i64: 128, 128>}, {pipeline_mode = #tpu.pipeline_mode<synchronous>, transform_indices = @transform_4, window_bounds = array<i64: 1, 128>}, {transform_indices = @transform_5, window_bounds = array<i64: 1000, 128>}]} {
    %get3A = arith.constant 0 : index
    %get3A_0 = arith.constant 0 : index
    %get3A_1 = arith.constant 0 : index
    %get3A_2 = vector.load %arg3[%get3A, %get3A_0, %get3A_1] : memref<2x128x128xf32, #tpu.memory_space<vmem>>, vector<2x128x128xf32>
    %get3A_3 = arith.constant 0 : index
    %get3A_4 = arith.constant 0 : index
    %get3A_5 = vector.load %arg2[%get3A_3, %get3A_4] : memref<1000x128xf32, #tpu.memory_space<vmem>>, vector<1000x128xf32>
    %get3A_6 = arith.constant 0 : index
    %get3A_7 = arith.constant 0 : index
    %get3A_8 = vector.load %arg4[%get3A_6, %get3A_7] : memref<128x128xf32, #tpu.memory_space<vmem>>, vector<128x128xf32>
    %dot_general3A = arith.constant dense<0.000000e+00> : vector<1000x128xf32>
    %dot_general3A_9 = tpu.matmul %get3A_5, %get3A_8, %dot_general3A {dimension_numbers = #tpu.dot_dimension_numbers<[1], [0], [0], [1], [0, 0, 1, 1], [], []>, transpose_lhs_hint = false} : vector<1000x128xf32>, vector<128x128xf32>, vector<1000x128xf32> -> vector<1000x128xf32>
    %get3A_10 = arith.constant 0 : index
    %get3A_11 = arith.constant 0 : index
    %get3A_12 = arith.constant 0 : index
    %get3A_13 = arith.constant 0 : index
    %get3A_14 = vector.load %arg1[%get3A_10, %get3A_11, %get3A_12, %get3A_13] : memref<2x2x1000x64xf32, #tpu.memory_space<vmem>>, vector<1x1x1000x64xf32>
    %get3A_15 = vector.shape_cast %get3A_14 : vector<1x1x1000x64xf32> to vector<1000x64xf32>
    %slice3A = vector.extract_strided_slice %get3A_2 {offsets = [0, 0, 0], sizes = [1, 64, 128], strides = [1, 1, 1]} : vector<2x128x128xf32> to vector<1x64x128xf32>
    %squeeze3A = vector.shape_cast %slice3A : vector<1x64x128xf32> to vector<64x128xf32>
    %dot_general3A_16 = arith.constant dense<0.000000e+00> : vector<1000x128xf32>
    %dot_general3A_17 = tpu.matmul %get3A_15, %squeeze3A, %dot_general3A_16 {dimension_numbers = #tpu.dot_dimension_numbers<[1], [0], [0], [1], [0, 0, 1, 1], [], []>, transpose_lhs_hint = false} : vector<1000x64xf32>, vector<64x128xf32>, vector<1000x128xf32> -> vector<1000x128xf32>
    %add3A = arith.addf %dot_general3A_9, %dot_general3A_17 : vector<1000x128xf32>
    %get3A_18 = arith.constant 0 : index
    %get3A_19 = arith.constant 1 : index
    %get3A_20 = arith.constant 0 : index
    %get3A_21 = arith.constant 0 : index
    %get3A_22 = vector.load %arg1[%get3A_18, %get3A_19, %get3A_20, %get3A_21] : memref<2x2x1000x64xf32, #tpu.memory_space<vmem>>, vector<1x1x1000x64xf32>
    %get3A_23 = vector.shape_cast %get3A_22 : vector<1x1x1000x64xf32> to vector<1000x64xf32>
    %slice3A_24 = vector.extract_strided_slice %get3A_2 {offsets = [1, 0, 0], sizes = [1, 64, 128], strides = [1, 1, 1]} : vector<2x128x128xf32> to vector<1x64x128xf32>
    %squeeze3A_25 = vector.shape_cast %slice3A_24 : vector<1x64x128xf32> to vector<64x128xf32>
    %dot_general3A_26 = arith.constant dense<0.000000e+00> : vector<1000x128xf32>
    %dot_general3A_27 = tpu.matmul %get3A_23, %squeeze3A_25, %dot_general3A_26 {dimension_numbers = #tpu.dot_dimension_numbers<[1], [0], [0], [1], [0, 0, 1, 1], [], []>, transpose_lhs_hint = false} : vector<1000x64xf32>, vector<64x128xf32>, vector<1000x128xf32> -> vector<1000x128xf32>
    %add3A_28 = arith.addf %add3A, %dot_general3A_27 : vector<1000x128xf32>
    %get3A_29 = arith.constant 1 : index
    %get3A_30 = arith.constant 0 : index
    %get3A_31 = arith.constant 0 : index
    %get3A_32 = arith.constant 0 : index
    %get3A_33 = vector.load %arg1[%get3A_29, %get3A_30, %get3A_31, %get3A_32] : memref<2x2x1000x64xf32, #tpu.memory_space<vmem>>, vector<1x1x1000x64xf32>
    %get3A_34 = vector.shape_cast %get3A_33 : vector<1x1x1000x64xf32> to vector<1000x64xf32>
    %slice3A_35 = vector.extract_strided_slice %get3A_2 {offsets = [0, 64, 0], sizes = [1, 64, 128], strides = [1, 1, 1]} : vector<2x128x128xf32> to vector<1x64x128xf32>
    %squeeze3A_36 = vector.shape_cast %slice3A_35 : vector<1x64x128xf32> to vector<64x128xf32>
    %dot_general3A_37 = arith.constant dense<0.000000e+00> : vector<1000x128xf32>
    %dot_general3A_38 = tpu.matmul %get3A_34, %squeeze3A_36, %dot_general3A_37 {dimension_numbers = #tpu.dot_dimension_numbers<[1], [0], [0], [1], [0, 0, 1, 1], [], []>, transpose_lhs_hint = false} : vector<1000x64xf32>, vector<64x128xf32>, vector<1000x128xf32> -> vector<1000x128xf32>
    %add3A_39 = arith.addf %add3A_28, %dot_general3A_38 : vector<1000x128xf32>
    %get3A_40 = arith.constant 1 : index
    %get3A_41 = arith.constant 1 : index
    %get3A_42 = arith.constant 0 : index
    %get3A_43 = arith.constant 0 : index
    %get3A_44 = vector.load %arg1[%get3A_40, %get3A_41, %get3A_42, %get3A_43] : memref<2x2x1000x64xf32, #tpu.memory_space<vmem>>, vector<1x1x1000x64xf32>
    %get3A_45 = vector.shape_cast %get3A_44 : vector<1x1x1000x64xf32> to vector<1000x64xf32>
    %slice3A_46 = vector.extract_strided_slice %get3A_2 {offsets = [1, 64, 0], sizes = [1, 64, 128], strides = [1, 1, 1]} : vector<2x128x128xf32> to vector<1x64x128xf32>
    %squeeze3A_47 = vector.shape_cast %slice3A_46 : vector<1x64x128xf32> to vector<64x128xf32>
    %dot_general3A_48 = arith.constant dense<0.000000e+00> : vector<1000x128xf32>
    %dot_general3A_49 = tpu.matmul %get3A_45, %squeeze3A_47, %dot_general3A_48 {dimension_numbers = #tpu.dot_dimension_numbers<[1], [0], [0], [1], [0, 0, 1, 1], [], []>, transpose_lhs_hint = false} : vector<1000x64xf32>, vector<64x128xf32>, vector<1000x128xf32> -> vector<1000x128xf32>
    %add3A_50 = arith.addf %add3A_39, %dot_general3A_49 : vector<1000x128xf32>
    %get3A_51 = arith.constant 0 : index
    %get3A_52 = arith.constant 0 : index
    %get3A_53 = vector.load %arg5[%get3A_51, %get3A_52] : memref<1x128xf32, #tpu.memory_space<vmem>>, vector<1x128xf32>
    %add3A_54 = vector.broadcast %get3A_53 : vector<1x128xf32> to vector<1000x128xf32>
    %add3A_55 = arith.addf %add3A_50, %add3A_54 : vector<1000x128xf32>
    %max3A = arith.constant 0.000000e+00 : f32
    %max3A_56 = vector.broadcast %max3A : f32 to vector<1000x128xf32>
    %max3A_57 = arith.maximumf %add3A_55, %max3A_56 : vector<1000x128xf32>
    %swap3A = arith.constant 0 : index
    %swap3A_58 = arith.constant 0 : index
    %swap3A_59 = vector.load %arg6[%swap3A, %swap3A_58] : memref<1000x128xf32, #tpu.memory_space<vmem>>, vector<1000x128xf32>
    tpu.vector_store %arg6[%swap3A, %swap3A_58], %max3A_57 {strides = array<i32>} : memref<1000x128xf32, #tpu.memory_space<vmem>>, vector<1000x128xf32>,
    return
  }
  func.func @transform_0(%arg0: i32) -> (i32, i32, i32, i32) {
    %c0_i32 = arith.constant 0 : i32
    %c0_i32_0 = arith.constant 0 : i32
    %c0_i32_1 = arith.constant 0 : i32
    %c0_i32_2 = arith.constant 0 : i32
    return %c0_i32, %c0_i32_0, %arg0, %c0_i32_1 : i32, i32, i32, i32
  }
  func.func @transform_1(%arg0: i32) -> (i32, i32) {
    %c0_i32 = arith.constant 0 : i32
    %c0_i32_0 = arith.constant 0 : i32
    return %arg0, %c0_i32 : i32, i32
  }
  func.func @transform_2(%arg0: i32) -> (i32, i32, i32) {
    %c0_i32 = arith.constant 0 : i32
    %c0_i32_0 = arith.constant 0 : i32
    %c0_i32_1 = arith.constant 0 : i32
    %c0_i32_2 = arith.constant 0 : i32
    return %c0_i32, %c0_i32_0, %c0_i32_1 : i32, i32, i32
  }
  func.func @transform_3(%arg0: i32) -> (i32, i32) {
    %c0_i32 = arith.constant 0 : i32
    %c0_i32_0 = arith.constant 0 : i32
    %c0_i32_1 = arith.constant 0 : i32
    return %c0_i32, %c0_i32_0 : i32, i32
  }
  func.func @transform_4(%arg0: i32) -> (i32, i32) {
    %c0_i32 = arith.constant 0 : i32
    %c0_i32_0 = arith.constant 0 : i32
    %c0_i32_1 = arith.constant 0 : i32
    return %c0_i32, %c0_i32_0 : i32, i32
  }
  func.func @transform_5(%arg0: i32) -> (i32, i32) {
    %c0_i32 = arith.constant 0 : i32
    %c0_i32_0 = arith.constant 0 : i32
    return %arg0, %c0_i32 : i32, i32
  }
}

module attributes {stable_mosaic.version = 14 : i64} {
  func.func @body(%arg0: i32, %arg1: memref<2x2x1000x64xf32, #tpu.memory_space<vmem>>, %arg2: memref<1000x128xf32, #tpu.memory_space<vmem>>, %arg3: memref<2x128x128xf32, #tpu.memory_space<vmem>>, %arg4: memref<128x128xf32, #tpu.memory_space<vmem>>, %arg5: memref<1x128xf32, #tpu.memory_space<vmem>>, %arg6: memref<1000x128xf32, #tpu.memory_space<vmem>>) attributes {dimension_semantics = [#tpu.dimension_semantics<arbitrary>], iteration_bounds = array<i64: 10>, scalar_prefetch = 0 : i64, scratch_operands = 0 : i64, tpu.core_type = #tpu.core_type<tc>, window_params = [{transform_indices = @transform_0, window_bounds = array<i64: 2, 2, 1000, 64>}, {transform_indices = @transform_1, window_bounds = array<i64: 1000, 128>}, {pipeline_mode = #tpu.pipeline_mode<synchronous>, transform_indices = @transform_2, window_bounds = array<i64: 2, 128, 128>}, {pipeline_mode = #tpu.pipeline_mode<synchronous>, transform_indices = @transform_3, window_bounds = array<i64: 128, 128>}, {pipeline_mode = #tpu.pipeline_mode<synchronous>, transform_indices = @transform_4, window_bounds = array<i64: 1, 128>}, {transform_indices = @transform_5, window_bounds = array<i64: 1000, 128>}]} {
    %get3A = arith.constant 0 : index
    %get3A_0 = arith.constant 0 : index
    %get3A_1 = arith.constant 0 : index
    %get3A_2 = vector.load %arg3[%get3A, %get3A_0, %get3A_1] : memref<2x128x128xf32, #tpu.memory_space<vmem>>, vector<2x128x128xf32>
    %get3A_3 = arith.constant 0 : index
    %get3A_4 = arith.constant 0 : index
    %get3A_5 = vector.load %arg2[%get3A_3, %get3A_4] : memref<1000x128xf32, #tpu.memory_space<vmem>>, vector<1000x128xf32>
    %get3A_6 = arith.constant 0 : index
    %get3A_7 = arith.constant 0 : index
    %get3A_8 = vector.load %arg4[%get3A_6, %get3A_7] : memref<128x128xf32, #tpu.memory_space<vmem>>, vector<128x128xf32>
    %dot_general3A = arith.constant dense<0.000000e+00> : vector<1000x128xf32>
    %dot_general3A_9 = tpu.matmul %get3A_5, %get3A_8, %dot_general3A {dimension_numbers = #tpu.dot_dimension_numbers<[1], [0], [0], [1], [0, 0, 1, 1], [], []>, transpose_lhs_hint = false} : vector<1000x128xf32>, vector<128x128xf32>, vector<1000x128xf32> -> vector<1000x128xf32>
    %get3A_10 = arith.constant 0 : index
    %get3A_11 = arith.constant 0 : index
    %get3A_12 = arith.constant 0 : index
    %get3A_13 = arith.constant 0 : index
    %get3A_14 = vector.load %arg1[%get3A_10, %get3A_11, %get3A_12, %get3A_13] : memref<2x2x1000x64xf32, #tpu.memory_space<vmem>>, vector<1x1x1000x64xf32>
    %get3A_15 = vector.shape_cast %get3A_14 : vector<1x1x1000x64xf32> to vector<1000x64xf32>
    %slice3A = vector.extract_strided_slice %get3A_2 {offsets = [0, 0, 0], sizes = [1, 64, 128], strides = [1, 1, 1]} : vector<2x128x128xf32> to vector<1x64x128xf32>
    %squeeze3A = vector.shape_cast %slice3A : vector<1x64x128xf32> to vector<64x128xf32>
    %dot_general3A_16 = arith.constant dense<0.000000e+00> : vector<1000x128xf32>
    %dot_general3A_17 = tpu.matmul %get3A_15, %squeeze3A, %dot_general3A_16 {dimension_numbers = #tpu.dot_dimension_numbers<[1], [0], [0], [1], [0, 0, 1, 1], [], []>, transpose_lhs_hint = false} : vector<1000x64xf32>, vector<64x128xf32>, vector<1000x128xf32> -> vector<1000x128xf32>
    %add3A = arith.addf %dot_general3A_9, %dot_general3A_17 : vector<1000x128xf32>
    %get3A_18 = arith.constant 0 : index
    %get3A_19 = arith.constant 1 : index
    %get3A_20 = arith.constant 0 : index
    %get3A_21 = arith.constant 0 : index
    %get3A_22 = vector.load %arg1[%get3A_18, %get3A_19, %get3A_20, %get3A_21] : memref<2x2x1000x64xf32, #tpu.memory_space<vmem>>, vector<1x1x1000x64xf32>
    %get3A_23 = vector.shape_cast %get3A_22 : vector<1x1x1000x64xf32> to vector<1000x64xf32>
    %slice3A_24 = vector.extract_strided_slice %get3A_2 {offsets = [1, 0, 0], sizes = [1, 64, 128], strides = [1, 1, 1]} : vector<2x128x128xf32> to vector<1x64x128xf32>
    %squeeze3A_25 = vector.shape_cast %slice3A_24 : vector<1x64x128xf32> to vector<64x128xf32>
    %dot_general3A_26 = arith.constant dense<0.000000e+00> : vector<1000x128xf32>
    %dot_general3A_27 = tpu.matmul %get3A_23, %squeeze3A_25, %dot_general3A_26 {dimension_numbers = #tpu.dot_dimension_numbers<[1], [0], [0], [1], [0, 0, 1, 1], [], []>, transpose_lhs_hint = false} : vector<1000x64xf32>, vector<64x128xf32>, vector<1000x128xf32> -> vector<1000x128xf32>
    %add3A_28 = arith.addf %add3A, %dot_general3A_27 : vector<1000x128xf32>
    %get3A_29 = arith.constant 1 : index
    %get3A_30 = arith.constant 0 : index
    %get3A_31 = arith.constant 0 : index
    %get3A_32 = arith.constant 0 : index
    %get3A_33 = vector.load %arg1[%get3A_29, %get3A_30, %get3A_31, %get3A_32] : memref<2x2x1000x64xf32, #tpu.memory_space<vmem>>, vector<1x1x1000x64xf32>
    %get3A_34 = vector.shape_cast %get3A_33 : vector<1x1x1000x64xf32> to vector<1000x64xf32>
    %slice3A_35 = vector.extract_strided_slice %get3A_2 {offsets = [0, 64, 0], sizes = [1, 64, 128], strides = [1, 1, 1]} : vector<2x128x128xf32> to vector<1x64x128xf32>
    %squeeze3A_36 = vector.shape_cast %slice3A_35 : vector<1x64x128xf32> to vector<64x128xf32>
    %dot_general3A_37 = arith.constant dense<0.000000e+00> : vector<1000x128xf32>
    %dot_general3A_38 = tpu.matmul %get3A_34, %squeeze3A_36, %dot_general3A_37 {dimension_numbers = #tpu.dot_dimension_numbers<[1], [0], [0], [1], [0, 0, 1, 1], [], []>, transpose_lhs_hint = false} : vector<1000x64xf32>, vector<64x128xf32>, vector<1000x128xf32> -> vector<1000x128xf32>
    %add3A_39 = arith.addf %add3A_28, %dot_general3A_38 : vector<1000x128xf32>
    %get3A_40 = arith.constant 1 : index
    %get3A_41 = arith.constant 1 : index
    %get3A_42 = arith.constant 0 : index
    %get3A_43 = arith.constant 0 : index
    %get3A_44 = vector.load %arg1[%get3A_40, %get3A_41, %get3A_42, %get3A_43] : memref<2x2x1000x64xf32, #tpu.memory_space<vmem>>, vector<1x1x1000x64xf32>
    %get3A_45 = vector.shape_cast %get3A_44 : vector<1x1x1000x64xf32> to vector<1000x64xf32>
    %slice3A_46 = vector.extract_strided_slice %get3A_2 {offsets = [1, 64, 0], sizes = [1, 64, 128], strides = [1, 1, 1]} : vector<2x128x128xf32> to vector<1x64x128xf32>
    %squeeze3A_47 = vector.shape_cast %slice3A_46 : vector<1x64x128xf32> to vector<64x128xf32>
    %dot_general3A_48 = arith.constant dense<0.000000e+00> : vector<1000x128xf32>
    %dot_general3A_49 = tpu.matmul %get3A_45, %squeeze3A_47, %dot_general3A_48 {dimension_numbers = #tpu.dot_dimension_numbers<[1], [0], [0], [1], [0, 0, 1, 1], [], []>, transpose_lhs_hint = false} : vector<1000x64xf32>, vector<64x128xf32>, vector<1000x128xf32> -> vector<1000x128xf32>
    %add3A_50 = arith.addf %add3A_39, %dot_general3A_49 : vector<1000x128xf32>
    %get3A_51 = arith.constant 0 : index
    %get3A_52 = arith.constant 0 : index
    %get3A_53 = vector.load %arg5[%get3A_51, %get3A_52] : memref<1x128xf32, #tpu.memory_space<vmem>>, vector<1x128xf32>
    %add3A_54 = vector.broadcast %get3A_53 : vector<1x128xf32> to vector<1000x128xf32>
    %add3A_55 = arith.addf %add3A_50, %add3A_54 : vector<1000x128xf32>
    %swap3A = arith.constant 0 : index
    %swap3A_56 = arith.constant 0 : index
    %swap3A_57 = vector.load %arg6[%swap3A, %swap3A_56] : memref<1000x128xf32, #tpu.memory_space<vmem>>, vector<1000x128xf32>
    tpu.vector_store %arg6[%swap3A, %swap3A_56], %add3A_55 {strides = array<i32>} : memref<1000x128xf32, #tpu.memory_space<vmem>>, vector<1000x128xf32>,
    return
  }
  func.func @transform_0(%arg0: i32) -> (i32, i32, i32, i32) {
    %c0_i32 = arith.constant 0 : i32
    %c0_i32_0 = arith.constant 0 : i32
    %c0_i32_1 = arith.constant 0 : i32
    %c0_i32_2 = arith.constant 0 : i32
    return %c0_i32, %c0_i32_0, %arg0, %c0_i32_1 : i32, i32, i32, i32
  }
  func.func @transform_1(%arg0: i32) -> (i32, i32) {
    %c0_i32 = arith.constant 0 : i32
    %c0_i32_0 = arith.constant 0 : i32
    return %arg0, %c0_i32 : i32, i32
  }
  func.func @transform_2(%arg0: i32) -> (i32, i32, i32) {
    %c0_i32 = arith.constant 0 : i32
    %c0_i32_0 = arith.constant 0 : i32
    %c0_i32_1 = arith.constant 0 : i32
    %c0_i32_2 = arith.constant 0 : i32
    return %c0_i32, %c0_i32_0, %c0_i32_1 : i32, i32, i32
  }
  func.func @transform_3(%arg0: i32) -> (i32, i32) {
    %c0_i32 = arith.constant 0 : i32
    %c0_i32_0 = arith.constant 0 : i32
    %c0_i32_1 = arith.constant 0 : i32
    return %c0_i32, %c0_i32_0 : i32, i32
  }
  func.func @transform_4(%arg0: i32) -> (i32, i32) {
    %c0_i32 = arith.constant 0 : i32
    %c0_i32_0 = arith.constant 0 : i32
    %c0_i32_1 = arith.constant 0 : i32
    return %c0_i32, %c0_i32_0 : i32, i32
  }
  func.func @transform_5(%arg0: i32) -> (i32, i32) {
    %c0_i32 = arith.constant 0 : i32
    %c0_i32_0 = arith.constant 0 : i32
    return %arg0, %c0_i32 : i32, i32
  }
}

</mosaic_0001>

<sc_bundles>
// kernel: kernel.6.cloned.1.call-start
scs
__scs_entry_jumppad:
0x0: {  	(pc) =	sbr.rel $0x88, $3  }
0x1: {  	(tag) =	ssettag $0x0;
	lr =	simm.s32 $0x1  }
0x2: {  	[smem:$0x3F98] =	sst lr;
	_ =	strace $0xD0000000  }
0x3: {  	_ = 	snop  }
0x4: {  	_ = 	snop  }
0x5: {  	_ = 	snop  }
0x6: {  	_ = 	snop  }
0x7: {  	_ = 	snop  }
__scs_overlays_trampoline_lowered:
0x8: {  	[smem:$0x3FA7] =	sst s0  }
0x9: {  	[smem:$0x3FA8] =	sst s1  }
0xa: {  	[smem:$0x3FA9] =	sst s2  }
0xb: {  	[smem:$0x3FAA] =	sst s3  }
0xc: {  	[smem:$0x3FAB] =	sst s4  }
0xd: {  	[smem:$0x3FAC] =	sst s5  }
0xe: {  	[smem:$0x3FAD] =	sst s6  }
0xf: {  	[smem:$0x3FAE] =	sst s7  }
0x10: {  	[smem:$0x3FAF] =	sst s8  }
0x11: {  	[smem:$0x3FB0] =	sst s9;
	s0 =	simm.s32 @!p0 $0x0  }
0x12: {  	s1 =	sld [smem:$0x3F96];
	s0 =	simm.s32 @p0 $0x1  }
0x13: {  	[smem:$0x3FB1] =	sst s0;
	s0 =	simm.s32 @!p1 $0x0  }
0x14: {  	s2 =	sld [smem:$0x3F95];
	s0 =	simm.s32 @p1 $0x1  }
0x15: {  	[smem:$0x3FB2] =	sst s0;
	s0 =	simm.s32 @!p2 $0x0  }
0x16: {  	s3 =	sld [smem:$0x3FDB];
	s0 =	simm.s32 @p2 $0x1  }
0x17: {  	s4 =	simm.s32 $0x1BF5;
	[smem:$0x3FB4] =	sst s0  }
0x18: {  	s0 =	sld [smem:$0x3F97];
	_ =	swait.ge [sflag:s4], $0x0  }
0x19: {  	s7 =	sld [smem:$0x3F98]  }
0x1a: {  	s8 =	sadd.s32 $0xFFFFE003, lr  }
0x1b: {  	s9 =	sadd.s32 $0xFFFFFEF7, lr;
	s5 =	simm.s32 $0xFFFFFFFF;
	p2 =	slt.u32 s8, $0xFFFFF086  }
0x1c: {  	p1 =	slt.u32 s9, $0xF7A;
	s5 =	simm.s32 @!p2 $0x0  }
0x1d: {  	s5 =	simm.s32 @p1 $0x1;
	p0 =	seq.s32 s7, s2  }
0x1e: {  	s7 =	smul.u32 @!p0 $0xF7A, s2;
	p2 =	seq.s32 @!p0 s5, $0x0  }
0x1f: {  	s9 =	smul.u32 $0xF7A, s1;
	s8 =	simm.s32 @!p0 $0x1BF5;
	p2 =	por !p2, p0  }
0x20: {  	[sflag:s8] =	ssyncset.s32 @!p0 $0xFFFFF086;
	s6 =	sadd.s32 @!p0 s3, s7;
	s7 =	simm.s32 @!p0 $0x108  }
0x21: {  	s3 =	sadd.s32 s3, s9;
	s6 =	sadd.s32 @!p0 $0x88, s6;
	s7 =	simm.s32 @p2 $0x1082  }
0x22: {  	[simem:s7], [sflag:s8] =	dma.local @!p0 [hbm:s6], $0xF7A  }
0x23: {  	s9 =	sor.u32 $0xD0000000, s2;
	s6 =	simm.s32 $0x108;
	_ =	swait.ge @!p0 [sflag:s8], $0x0  }
0x24: {  	s3 =	sadd.s32 $0x88, s3;
	s6 =	simm.s32 @!p1 $0x1082;
	[sflag:s4] =	ssyncset.s32 $0xFFFFF086  }
0x25: {  	[simem:s6], [sflag:s4] =	dma.local [hbm:s3], $0xF7A  }
0x26: {  	[smem:$0x3F98] =	sst s1;
	(tag) =	ssettag s2;
	_ =	strace s9  }
0x27: {  	s1 =	sld [smem:$0x3FA8]  }
0x28: {  	s2 =	sld [smem:$0x3FA9]  }
0x29: {  	s4 =	sld [smem:$0x3FAB]  }
0x2a: {  	p0 =	seq.s32 s5, $0x0;
	s5 =	sld [smem:$0x3FAC]  }
0x2b: {  	s6 =	sld [smem:$0x3FAD]  }
0x2c: {  	s7 =	sld [smem:$0x3FAE]  }
0x2d: {  	s3 =	simm.s32 $0x108;
	s8 =	sld [smem:$0x3FAF]  }
0x2e: {  	s3 =	simm.s32 @!p0 $0x1082;
	s9 =	sld [smem:$0x3FB0]  }
0x2f: {  	lr =	sadd.s32 s0, s3;
	s0 =	sld [smem:$0x3FA7]  }
0x30: {  	s3 =	sld [smem:$0x3FAA]  }
0x31: {  	[smem:$0x3FB3] =	sst s10  }
0x32: {  	s10 =	sld [smem:$0x3FB1];
	_ =	sdelay $0x3  }
0x33: {  	p0 =	seq.s32 s10, $0x1;
	s10 =	sld [smem:$0x3FB3];
	_ =	sdelay $0x3  }
0x34: {  	[smem:$0x3FB3] =	sst s10  }
0x35: {  	s10 =	sld [smem:$0x3FB2];
	_ =	sdelay $0x3  }
0x36: {  	p1 =	seq.s32 s10, $0x1;
	s10 =	sld [smem:$0x3FB3];
	_ =	sdelay $0x3  }
0x37: {  	[smem:$0x3FB3] =	sst s10  }
0x38: {  	s10 =	sld [smem:$0x3FB4]  }
0x39: {  	_ = 	snop;
	(pc) =	sbr.ind lr, $3  }
0x3a: {  	_ = 	snop  }
0x3b: {  	_ = 	snop  }
0x3c: {  	p2 =	seq.s32 s10, $0x1;
	s10 =	sld [smem:$0x3FB3]  }
0x3d: {  	_ =	shalt  }
0x3e: {  	_ =	shalt  }
0x3f: {  	_ =	shalt  }
0x40: {  	_ =	shalt  }
0x41: {  	_ =	shalt  }
0x42: {  	_ =	shalt  }
0x43: {  	_ =	shalt  }
0x44: {  	_ =	shalt  }
0x45: {  	_ =	shalt  }
0x46: {  	_ =	shalt  }
0x47: {  	_ =	shalt  }
0x48: {  	_ =	shalt  }
0x49: {  	_ =	shalt  }
0x4a: {  	_ =	shalt  }
0x4b: {  	_ =	shalt  }
0x4c: {  	_ =	shalt  }
0x4d: {  	_ =	shalt  }
0x4e: {  	_ =	shalt  }
0x4f: {  	_ =	shalt  }
0x50: {  	_ =	shalt  }
0x51: {  	_ =	shalt  }
0x52: {  	_ =	shalt  }
0x53: {  	_ =	shalt  }
0x54: {  	_ =	shalt  }
0x55: {  	_ =	shalt  }
0x56: {  	_ =	shalt  }
0x57: {  	_ =	shalt  }
0x58: {  	_ =	shalt  }
0x59: {  	_ =	shalt  }
0x5a: {  	_ =	shalt  }
0x5b: {  	_ =	shalt  }
0x5c: {  	_ =	shalt  }
0x5d: {  	_ =	shalt  }
0x5e: {  	_ =	shalt  }
0x5f: {  	_ =	shalt  }
0x60: {  	_ =	shalt  }
0x61: {  	_ =	shalt  }
0x62: {  	_ =	shalt  }
0x63: {  	_ =	shalt  }
0x64: {  	_ =	shalt  }
0x65: {  	_ =	shalt  }
0x66: {  	_ =	shalt  }
0x67: {  	_ =	shalt  }
0x68: {  	_ =	shalt  }
0x69: {  	_ =	shalt  }
0x6a: {  	_ =	shalt  }
0x6b: {  	_ =	shalt  }
0x6c: {  	_ =	shalt  }
0x6d: {  	_ =	shalt  }
0x6e: {  	_ =	shalt  }
0x6f: {  	_ =	shalt  }
0x70: {  	_ =	shalt  }
0x71: {  	_ =	shalt  }
0x72: {  	_ =	shalt  }
0x73: {  	_ =	shalt  }
0x74: {  	_ =	shalt  }
0x75: {  	_ =	shalt  }
0x76: {  	_ =	shalt  }
0x77: {  	_ =	shalt  }
0x78: {  	_ =	shalt  }
0x79: {  	_ =	shalt  }
0x7a: {  	_ =	shalt  }
0x7b: {  	_ =	shalt  }
0x7c: {  	_ =	shalt  }
0x7d: {  	_ =	shalt  }
0x7e: {  	_ =	shalt  }
0x7f: {  	_ =	shalt  }
0x80: {  	_ =	shalt  }
0x81: {  	_ =	shalt  }
0x82: {  	_ =	shalt  }
0x83: {  	_ =	shalt  }
0x84: {  	_ =	shalt  }
0x85: {  	_ =	shalt  }
0x86: {  	_ =	shalt  }
0x87: {  	_ =	shalt  }
.Lfunc_end0:
.L_simem_size_0:
called_computation_lowered:
.L_overlay_start_0:
0x88: {  	s2 =	sld [smem:$0x3FD9]  }
0x89: {  	s3 =	sld [smem:$0x3FFE];
	_ =	sdelay $0x1  }
0x8a: {  	s1 =	srdreg.scid  }
0x8b: {  	s0 =	sand.u32 $0x1, s1  }
0x8c: {  	s17 =	sshll.u32 s0, $0xA;
	s2 =	sadd.s32 s3, s2  }
0x8d: {  	s2 =	sadd.s32 s2, s17  }
0x8e: {  	[smem:$0x3FBF] =	sst s2  }
0x8f: {  	_ = 	snop  }
0x90: {  	s2 =	sld [smem:$0x3FC9];
	(tm) =	ssettm $0x1  }
0x91: {  	s18 =	sld [smem:$0x3FFB];
	_ =	sdelay $0x3  }
0x92: {  	_ =	strace s18  }
0x93: {  	s3 =	sld [smem:$0x3FFC];
	_ =	sdelay $0x3  }
0x94: {  	_ =	strace s3  }
0x95: {  	s3 =	sld [smem:$0x3FFD];
	_ =	sdelay $0x3  }
0x96: {  	_ =	strace s3  }
0x97: {  	_ =	strace $0x8FFFFFFF  }
0x98: {  	s19 =	sld [smem:$0x3FDB];
	_ =	sdelay $0x1  }
0x99: {  	s4 =	simm.s32 $_scs_section_size  }
0x9a: {  	s5 =	simm.s32 $_size__tile_overlayer_lowered;
	s6 =	simm.s32 $_tile_overlayer_lowered  }
0x9b: {  	s22 =	simm.s32 $0x1BFF;
	s21 =	sshll.u32 s6, $0x1;
	s3 =	sadd.s32 s4, s19  }
0x9c: {  	s7 =	simm.s32 $0x0;
	s20 =	sshll.u32 s5, $0x1;
	s5 =	sadd.s32 s21, s3  }
0x9d: {  	[timem:s7], [sflag:s22] =	dma.local [hbm:s5], s20  }
0x9e: {  	_ =	swait.ge [sflag:s22], s20  }
0x9f: {  	s4 =	ssub.s32 $0x0, s20;
	[sflag:s22] =	ssyncset.done $0x0  }
0xa0: {  	[sflag:s22] =	ssyncadd.s32 s4;
	_ =	sdelay $0x1  }
0xa1: {  	s23 =	simm.s32 $0x1B8B  }
0xa2: {  	_ =	swait.ge [sflag:s23], $0x1  }
0xa3: {  	[sflag:s23] =	ssyncset.done $0x0  }
0xa4: {  	s25 =	simm.s32 $0x1B8E;
	s24 =	sld [smem:$0x3FFE];
	[sflag:s23] =	ssyncadd.s32 $0xFFFFFFFF  }
0xa5: {  	s26 =	simm.s32 $execute0_lowered;
	[smem:$0x3FD2] =	sst s25  }
0xa6: {  	s5 =	sshll.u32 s26, $0x1;
	_ =	strace $0x80000046;
	[dreg:$0x1] =	wrdreg $0xFFFFFFFF  }
0xa7: {  	s28 =	simm.s32 $_size_execute0_lowered;
	s3 =	sadd.s32 s3, s5;
	[dreg:$0x0] =	wrdreg $0x0  }
0xa8: {  	s5 =	sshll.u32 s28, $0x1;
	[dreg:$0x2] =	wrdreg s3  }
0xa9: {  	[dreg:$0x3] =	wrdreg s5  }
0xaa: {  	[dreg:$0x4] =	wrdreg $0xC0  }
0xab: {  	_ =	task [dreg:s7], $0x5FFFF  }
0xac: {  	[dreg:$0x1] =	wrdreg $0xFFFFFFFF  }
0xad: {  	[dreg:$0x0] =	wrdreg $0x60  }
0xae: {  	[dreg:$0x2] =	wrdreg s2  }
0xaf: {  	[dreg:$0x3] =	wrdreg s24  }
0xb0: {  	[dreg:$0x4] =	wrdreg $0x21000  }
0xb1: {  	[dreg:$0x5] =	wrdreg $0x9  }
0xb2: {  	_ =	task.clear_ibuf [dreg:s7], $0x6FFFF;
	_ =	strace $0x90000046  }
0xb3: {  	s29 =	simm.s32 $0x9;
	_ =	strace $0x80000048  }
0xb4: {  	_ =	swait.ge [sflag:s29], $0x1  }
0xb5: {  	[sflag:s29] =	ssyncadd.s32 $0xFFFFFFFF  }
0xb6: {  	_ =	strace $0x90000048  }
0xb7: {  	_ =	sfence  }
0xb8: {  	s30 =	sld [smem:$0x0];
	_ =	sdelay $0x2  }
0xb9: {  	s31 =	sshll.u32 s1, $0xD;
	s1 =	sshrl.u32 s1, $0x2  }
0xba: {  	s3 =	sand.u32 $0x4000, s31;
	s1 =	sadd.s32 s1, s30  }
0xbb: {  	s0 =	sor.u32 s3, s0;
	s1 =	sshll.u32 s1, $0x11  }
0xbc: {  	s0 =	sor.u32 s1, s0  }
0xbd: {  	s0 =	sadd.s32 $0x8F2B, s0  }
0xbe: {  	[sflag:s0] =	ssyncadd.remote.s32 $0x1  }
0xbf: {  	_ =	sfence.sel $0xFFFF  }
0xc0: {  	[dreg:$0x0] =	wrdreg $0xFFFFFFFF;
	(pc) =	sbr.abs _section_cstart, $3  }
0xc1: {  	[dreg:$0x1] =	wrdreg $0xFFFFFFFF  }
0xc2: {  	_ =	task.clear_ibuf [dreg:s7], $0x2FFFF;
	_ =	strace $0x9FFFFFFF  }
0xc3: {  	(tm) =	ssettm $0x7FFFFFFF  }
tec
execute0_lowered:
.L_overlay_start_1:
0x0: {  	(tag) =	ssettag $0x1  }
0x1: {  	s1 =	rddreg [dreg:$0x0]  }
0x2: {  	s5 =	rddreg [dreg:$0x1]  }
0x3: {  	s0 =	srdreg.scid;
	s3 =	stileid.u32  }
0x4: {  	s2 =	rddreg [dreg:$0x2];
	s9 =	smul.u32 $0x2710, s3  }
0x5: {  	s4 =	simm.s32 $0x0;
	s18 =	simm.s32 $0x100;
	s10 =	smul.u32 $0x4E200, s3  }
0x6: {  	s19 =	simm.s32 $0x2;
	s20 =	simm.s32 $0x80;
	s11 =	smul.u32 $0x50000, s3  }
0x7: {  	s21 =	simm.s32 $0x1;
	s6 =	sand.u32 $0x1, s0;
	s16 =	smul.u32 $0x13A0, s3  }
0x8: {  	s23 =	simm.s32 $0x0;
	s0 =	rddreg [dreg:$0x3];
	s7 =	smul.u32 $0x13A00, s6  }
0x9: {  	[smem:$0x7FF] =	sst s4;
	s8 =	smul.u32 $0x27100, s6;
	s6 =	ssub.s32 $0x2, s6  }
0xa: {  	_ =	strace $0x80000047;
	s29 =	sshrl.u32 s6, $0x1;
	s30 =	sshrl.u32 s10, $0x2  }
0xb: {  	s31 =	sshrl.u32 s11, $0x2;
	s8 =	sadd.s32 s9, s8;
	s15 =	sadd.s32 s7, s5  }
0xc: {  	s6 =	ssub.s32 s6, s29;
	s22 =	sadd.s32 s30, s2;
	s7 =	sadd.s32 s31, s2  }
0xd: {  	s5 =	sadd.s32 s8, s5;
	s6 =	smax.u32 s6, $0x1;
	s8 =	sadd.s32 $0x2000, s7  }
0xe: {  	s9 =	sadd.s32 $0x4000, s7;
	s10 =	sadd.s32 $0x6000, s7;
	s11 =	sadd.s32 $0x8000, s7  }
0xf: {  	s12 =	sadd.s32 $0xA000, s7;
	s13 =	sadd.s32 $0xC000, s7;
	s14 =	sadd.s32 $0xE000, s7  }
0x10: {  	s17 =	sadd.s32 s16, s15;
	s15 =	sadd.s32 $0x10000, s7;
	s16 =	sadd.s32 $0x12000, s7  }
0x11: {  	v0 =	vimm.f32 $0.0e+00;
	s22 =	sshrl.u32 s22, $0x3;
	s5 =	sadd.s32 $0x28E00, s5;
	s17 =	sadd.s32 $0x1A00, s17  }
.LBB2_1:
0x12: {  	s24 =	sand.u32 $0x7F00, s4  }
0x13: {  	s25 =	sand.u32 $0x30, s4;
	s26 =	sshrl.u32 s24, $0x2  }
0x14: {  	s24 =	simm.s32 $0x40;
	s26 =	sor.u32 s25, s26;
	s25 =	simm.s32 $0x0  }
.LBB2_2:
0x15: {  	p0 =	sne.s32 s24, $0x7FC0  }
0x16: {  	[tilespmem:s26+$0x100] =	vst v0;
	s25 =	sadd.s32 $0x10, s25;
	s26 =	smov.u32 s24;
	s24 =	sadd.s32 $0x40, s24  }
.Ltmp0:
0x17: {  	(pc) =	sbr.rel @p0 .LBB2_2-.Ltmp0, $4  }
0x18: {  	_ = 	snop  }
0x19: {  	s26 =	sand.u32 $0x7F00, s26  }
0x1a: {  	s28 =	sand.u32 $0x30, s25;
	s26 =	sshrl.u32 s26, $0x2  }
0x1b: {  	s26 =	sor.u32 s28, s26  }
0x1c: {  	[tilespmem:s26+$0x100] =	vst v0  }
0x1d: {  	[spmem:s7] =	stream.linear.scatter [tilespmem:s18], [sflag:$0x2], $0x2000, $0x38;
	[tilespmem:$0x16100] =	vst v63  }
0x1e: {  	_ =	swait.ge [sflag:s19], $0x2000  }
0x1f: {  	[sflag:s19] =	ssyncset.done $0x0  }
0x20: {  	[sflag:s19] =	ssyncadd.s32 $0xFFFFE000  }
0x21: {  	[spmem:s8] =	stream.linear.scatter [tilespmem:s18], [sflag:$0x2], $0x2000, $0x38;
	[tilespmem:$0x16100] =	vst v63  }
0x22: {  	_ =	swait.ge [sflag:s19], $0x2000  }
0x23: {  	[sflag:s19] =	ssyncset.done $0x0  }
0x24: {  	[sflag:s19] =	ssyncadd.s32 $0xFFFFE000  }
0x25: {  	[spmem:s9] =	stream.linear.scatter [tilespmem:s18], [sflag:$0x2], $0x2000, $0x38;
	[tilespmem:$0x16100] =	vst v63  }
0x26: {  	_ =	swait.ge [sflag:s19], $0x2000  }
0x27: {  	[sflag:s19] =	ssyncset.done $0x0  }
0x28: {  	[sflag:s19] =	ssyncadd.s32 $0xFFFFE000  }
0x29: {  	[spmem:s10] =	stream.linear.scatter [tilespmem:s18], [sflag:$0x2], $0x2000, $0x38;
	[tilespmem:$0x16100] =	vst v63  }
0x2a: {  	_ =	swait.ge [sflag:s19], $0x2000  }
0x2b: {  	[sflag:s19] =	ssyncset.done $0x0  }
0x2c: {  	[sflag:s19] =	ssyncadd.s32 $0xFFFFE000  }
0x2d: {  	[spmem:s11] =	stream.linear.scatter [tilespmem:s18], [sflag:$0x2], $0x2000, $0x38;
	[tilespmem:$0x16100] =	vst v63  }
0x2e: {  	_ =	swait.ge [sflag:s19], $0x2000  }
0x2f: {  	[sflag:s19] =	ssyncset.done $0x0  }
0x30: {  	[sflag:s19] =	ssyncadd.s32 $0xFFFFE000  }
0x31: {  	[spmem:s12] =	stream.linear.scatter [tilespmem:s18], [sflag:$0x2], $0x2000, $0x38;
	[tilespmem:$0x16100] =	vst v63  }
0x32: {  	_ =	swait.ge [sflag:s19], $0x2000  }
0x33: {  	[sflag:s19] =	ssyncset.done $0x0  }
0x34: {  	[sflag:s19] =	ssyncadd.s32 $0xFFFFE000  }
0x35: {  	[spmem:s13] =	stream.linear.scatter [tilespmem:s18], [sflag:$0x2], $0x2000, $0x38;
	[tilespmem:$0x16100] =	vst v63  }
0x36: {  	_ =	swait.ge [sflag:s19], $0x2000  }
0x37: {  	[sflag:s19] =	ssyncset.done $0x0  }
0x38: {  	[sflag:s19] =	ssyncadd.s32 $0xFFFFE000  }
0x39: {  	[spmem:s14] =	stream.linear.scatter [tilespmem:s18], [sflag:$0x2], $0x2000, $0x38;
	[tilespmem:$0x16100] =	vst v63  }
0x3a: {  	_ =	swait.ge [sflag:s19], $0x2000  }
0x3b: {  	[sflag:s19] =	ssyncset.done $0x0  }
0x3c: {  	[sflag:s19] =	ssyncadd.s32 $0xFFFFE000  }
0x3d: {  	[spmem:s15] =	stream.linear.scatter [tilespmem:s18], [sflag:$0x2], $0x2000, $0x38;
	[tilespmem:$0x16100] =	vst v63  }
0x3e: {  	_ =	swait.ge [sflag:s19], $0x2000  }
0x3f: {  	[sflag:s19] =	ssyncset.done $0x0  }
0x40: {  	[sflag:s19] =	ssyncadd.s32 $0xFFFFE000  }
0x41: {  	[spmem:s16] =	stream.linear.scatter [tilespmem:s18], [sflag:$0x2], $0x2000, $0x38;
	[tilespmem:$0x16100] =	vst v63  }
0x42: {  	_ =	swait.ge [sflag:s19], $0x2000  }
0x43: {  	[sflag:s19] =	ssyncset.done $0x0  }
0x44: {  	[sflag:s19] =	ssyncadd.s32 $0xFFFFE000  }
0x45: {  	s24 =	sadd.s32 $0x0, s17;
	[bflag:$0x0] =	sbarrier.arrive $0xFFFF  }
0x46: {  	[tilespmem:s4], [sflag:$0x2] =	stream.linear.gather [hbm4b:s24+s4], $0x100, $0x38;
	[tilespmem:$0x16100] =	vst v63  }
0x47: {  	_ =	swait.ge [sflag:s19], $0x100  }
0x48: {  	[sflag:s19] =	ssyncset.done $0x0  }
0x49: {  	[sflag:s19] =	ssyncadd.s32 $0xFFFFFF00  }
0x4a: {  	[tilespmem:s18], [sflag:$0x1] =	stream.indirect.gather [hbm4b:s1+s20], $0x40, s4, s20, $0xb8;
	[tilespmem:$0x16100] =	vst v63  }
0x4b: {  	_ =	swait.ge [sflag:s21], $0x2000  }
0x4c: {  	[sflag:s21] =	ssyncset.done $0x0  }
0x4d: {  	[sflag:s21] =	ssyncadd.s32 $0xFFFFE000  }
0x4e: {  	[spmem:s2] =	stream.indirect.scatter.add.f32 [tilespmem:s18], [sflag:$0x2], $0x40, s20, s20, $0xb8;
	[tilespmem:$0x16100] =	vst v63  }
0x4f: {  	_ =	swait.ge [sflag:s19], $0x2000  }
0x50: {  	s25 =	simm.s32 $0x40;
	s24 =	simm.s32 $0x20;
	[sflag:s19] =	ssyncset.done $0x0  }
.LBB2_4:
0x51: {  	s26 =	sadd.s32 s24, s17  }
0x52: {  	[sflag:s19] =	ssyncadd.s32 $0xFFFFE000;
	s24 =	smov.u32 s25;
	s28 =	sadd.s32 $0x20, s25  }
0x53: {  	[tilespmem:s4], [sflag:$0x2] =	stream.linear.gather [hbm4b:s26+s4], $0x100, $0x38;
	[tilespmem:$0x16100] =	vst v63  }
0x54: {  	p0 =	sne.s32 s25, $0x1380;
	_ =	swait.ge [sflag:s19], $0x100  }
0x55: {  	[sflag:s19] =	ssyncset.done $0x0  }
0x56: {  	[sflag:s19] =	ssyncadd.s32 $0xFFFFFF00  }
0x57: {  	[tilespmem:s18], [sflag:$0x1] =	stream.indirect.gather [hbm4b:s1+s20], $0x40, s4, s20, $0xb8;
	[tilespmem:$0x16100] =	vst v63  }
0x58: {  	_ =	swait.ge [sflag:s21], $0x2000  }
.Ltmp1:
0x59: {  	[sflag:s21] =	ssyncset.done $0x0;
	(pc) =	sbr.rel @p0 .LBB2_4-.Ltmp1, $4  }
0x5a: {  	[sflag:s21] =	ssyncadd.s32 $0xFFFFE000  }
0x5b: {  	[spmem:s2] =	stream.indirect.scatter.add.f32 [tilespmem:s18], [sflag:$0x2], $0x40, s20, s20, $0xb8;
	[tilespmem:$0x16100] =	vst v63  }
0x5c: {  	_ =	swait.ge [sflag:s19], $0x2000  }
0x5d: {  	s25 =	smov.u32 s28;
	[sflag:s19] =	ssyncset.done $0x0  }
0x5e: {  	s24 =	sadd.s32 s24, s17;
	[sflag:s19] =	ssyncadd.s32 $0xFFFFE000  }
0x5f: {  	[tilespmem:s4], [sflag:$0x2] =	stream.linear.gather [hbm4b:s24+s4], $0x100, $0x38;
	[tilespmem:$0x16100] =	vst v63  }
0x60: {  	_ =	swait.ge [sflag:s19], $0x100  }
0x61: {  	[sflag:s19] =	ssyncset.done $0x0  }
0x62: {  	[sflag:s19] =	ssyncadd.s32 $0xFFFFFF00  }
0x63: {  	[tilespmem:s18], [sflag:$0x1] =	stream.indirect.gather [hbm4b:s1+s20], $0x40, s4, s20, $0xb8;
	[tilespmem:$0x16100] =	vst v63  }
0x64: {  	_ =	swait.ge [sflag:s21], $0x2000  }
0x65: {  	[sflag:s21] =	ssyncset.done $0x0  }
0x66: {  	[sflag:s21] =	ssyncadd.s32 $0xFFFFE000  }
0x67: {  	[spmem:s2] =	stream.indirect.scatter.add.f32 [tilespmem:s18], [sflag:$0x2], $0x40, s20, s20, $0xb8;
	[tilespmem:$0x16100] =	vst v63  }
0x68: {  	_ =	swait.ge [sflag:s19], $0x2000  }
0x69: {  	s23 =	sadd.s32 $0x1, s23;
	[sflag:s19] =	ssyncset.done $0x0  }
0x6a: {  	s31 =	sshll.u32 s3, $0x6;
	p0 =	sne.s32 s23, s6;
	[sflag:s19] =	ssyncadd.s32 $0xFFFFE000  }
.Ltmp2:
0x6b: {  	s24 =	sor.u32 $0x1C02, s31;
	[bflag:$0x0] =	sbarrier.arrive $0xFFFF;
	(pc) =	sbr.rel @p0 .LBB2_1-.Ltmp2, $4  }
0x6c: {  	[hbm:s5], [sflag:s24] =	dma.local [spmem:s22], $0x2710  }
0x6d: {  	_ =	swait.ge [sflag:s19], $0x2710  }
0x6e: {  	[sflag:s19] =	ssyncset.done $0x0  }
0x6f: {  	[sflag:s19] =	ssyncadd.s32 $0xFFFFD8F0  }
0x70: {  	_ =	sfence.sel $0x180000  }
0x71: {  	[bflag:$0x0] =	sbarrier.arrive $0xFFFF  }
0x72: {  	p0 =	sne.s32 s3, $0x0;
	_ =	strace $0x90000047  }
0x73: {  	s0 =	sadd.s32 @!p0 $0x100000, s0;
	[bflag:$0x2] =	sbarrier.arrive $0xFFFF  }
0x74: {  	[sflag:s0] =	ssyncadd.tile.s32 @!p0 $0x1;
	_ =	shalt  }
.Lfunc_end2:
_tile_overlayer_lowered:
.L_overlay_start_2:
0x75: {  	(tag) =	ssettag $0x2  }
0x76: {  	s0 =	rddreg [dreg:$0x0];
	s2 =	stileid.u32  }
0x77: {  	s1 =	rddreg [dreg:$0x1];
	p0 =	sne.s32 s2, $0x0  }
0x78: {  	s3 =	rddreg [dreg:$0x2];
	[bflag:$0x3] =	sbarrier.arrive $0xFFFF;
	s2 =	simm.s32 @!p0 $0x1C02  }
0x79: {  	[timem:s3], [sflag:s2] =	dma.local @!p0 [hbm:s0], s1  }
0x7a: {  	s0 =	simm.s32 @!p0 $0x2  }
0x7b: {  	_ =	swait.ge @!p0 [sflag:s0], s1  }
0x7c: {  	s1 =	ssub.s32 @!p0 $0x0, s1;
	[sflag:s0] =	ssyncset.done @!p0 $0x0  }
0x7d: {  	[sflag:s0] =	ssyncadd.s32 @!p0 s1  }
0x7e: {  	[bflag:$0x3] =	sbarrier.arrive $0xFFFF  }
0x7f: {  	_ =	shalt  }

// kernel: kernel.9.cloned.1.call-start
scs
__scs_entry_jumppad:
0x0: {  	(pc) =	sbr.rel $0x88, $3  }
0x1: {  	(tag) =	ssettag $0x0;
	lr =	simm.s32 $0x1  }
0x2: {  	[smem:$0x3F98] =	sst lr;
	_ =	strace $0xD0000000  }
0x3: {  	_ = 	snop  }
0x4: {  	_ = 	snop  }
0x5: {  	_ = 	snop  }
0x6: {  	_ = 	snop  }
0x7: {  	_ = 	snop  }
__scs_overlays_trampoline_lowered:
0x8: {  	[smem:$0x3FA7] =	sst s0  }
0x9: {  	[smem:$0x3FA8] =	sst s1  }
0xa: {  	[smem:$0x3FA9] =	sst s2  }
0xb: {  	[smem:$0x3FAA] =	sst s3  }
0xc: {  	[smem:$0x3FAB] =	sst s4  }
0xd: {  	[smem:$0x3FAC] =	sst s5  }
0xe: {  	[smem:$0x3FAD] =	sst s6  }
0xf: {  	[smem:$0x3FAE] =	sst s7  }
0x10: {  	[smem:$0x3FAF] =	sst s8  }
0x11: {  	[smem:$0x3FB0] =	sst s9;
	s0 =	simm.s32 @!p0 $0x0  }
0x12: {  	s1 =	sld [smem:$0x3F96];
	s0 =	simm.s32 @p0 $0x1  }
0x13: {  	[smem:$0x3FB1] =	sst s0;
	s0 =	simm.s32 @!p1 $0x0  }
0x14: {  	s2 =	sld [smem:$0x3F95];
	s0 =	simm.s32 @p1 $0x1  }
0x15: {  	[smem:$0x3FB2] =	sst s0;
	s0 =	simm.s32 @!p2 $0x0  }
0x16: {  	s3 =	sld [smem:$0x3FDB];
	s0 =	simm.s32 @p2 $0x1  }
0x17: {  	s4 =	simm.s32 $0x1BF5;
	[smem:$0x3FB4] =	sst s0  }
0x18: {  	s0 =	sld [smem:$0x3F97];
	_ =	swait.ge [sflag:s4], $0x0  }
0x19: {  	s7 =	sld [smem:$0x3F98]  }
0x1a: {  	s8 =	sadd.s32 $0xFFFFE003, lr  }
0x1b: {  	s9 =	sadd.s32 $0xFFFFFEF7, lr;
	s5 =	simm.s32 $0xFFFFFFFF;
	p2 =	slt.u32 s8, $0xFFFFF086  }
0x1c: {  	p1 =	slt.u32 s9, $0xF7A;
	s5 =	simm.s32 @!p2 $0x0  }
0x1d: {  	s5 =	simm.s32 @p1 $0x1;
	p0 =	seq.s32 s7, s2  }
0x1e: {  	s7 =	smul.u32 @!p0 $0xF7A, s2;
	p2 =	seq.s32 @!p0 s5, $0x0  }
0x1f: {  	s9 =	smul.u32 $0xF7A, s1;
	s8 =	simm.s32 @!p0 $0x1BF5;
	p2 =	por !p2, p0  }
0x20: {  	[sflag:s8] =	ssyncset.s32 @!p0 $0xFFFFF086;
	s6 =	sadd.s32 @!p0 s3, s7;
	s7 =	simm.s32 @!p0 $0x108  }
0x21: {  	s3 =	sadd.s32 s3, s9;
	s6 =	sadd.s32 @!p0 $0x88, s6;
	s7 =	simm.s32 @p2 $0x1082  }
0x22: {  	[simem:s7], [sflag:s8] =	dma.local @!p0 [hbm:s6], $0xF7A  }
0x23: {  	s9 =	sor.u32 $0xD0000000, s2;
	s6 =	simm.s32 $0x108;
	_ =	swait.ge @!p0 [sflag:s8], $0x0  }
0x24: {  	s3 =	sadd.s32 $0x88, s3;
	s6 =	simm.s32 @!p1 $0x1082;
	[sflag:s4] =	ssyncset.s32 $0xFFFFF086  }
0x25: {  	[simem:s6], [sflag:s4] =	dma.local [hbm:s3], $0xF7A  }
0x26: {  	[smem:$0x3F98] =	sst s1;
	(tag) =	ssettag s2;
	_ =	strace s9  }
0x27: {  	s1 =	sld [smem:$0x3FA8]  }
0x28: {  	s2 =	sld [smem:$0x3FA9]  }
0x29: {  	s4 =	sld [smem:$0x3FAB]  }
0x2a: {  	p0 =	seq.s32 s5, $0x0;
	s5 =	sld [smem:$0x3FAC]  }
0x2b: {  	s6 =	sld [smem:$0x3FAD]  }
0x2c: {  	s7 =	sld [smem:$0x3FAE]  }
0x2d: {  	s3 =	simm.s32 $0x108;
	s8 =	sld [smem:$0x3FAF]  }
0x2e: {  	s3 =	simm.s32 @!p0 $0x1082;
	s9 =	sld [smem:$0x3FB0]  }
0x2f: {  	lr =	sadd.s32 s0, s3;
	s0 =	sld [smem:$0x3FA7]  }
0x30: {  	s3 =	sld [smem:$0x3FAA]  }
0x31: {  	[smem:$0x3FB3] =	sst s10  }
0x32: {  	s10 =	sld [smem:$0x3FB1];
	_ =	sdelay $0x3  }
0x33: {  	p0 =	seq.s32 s10, $0x1;
	s10 =	sld [smem:$0x3FB3];
	_ =	sdelay $0x3  }
0x34: {  	[smem:$0x3FB3] =	sst s10  }
0x35: {  	s10 =	sld [smem:$0x3FB2];
	_ =	sdelay $0x3  }
0x36: {  	p1 =	seq.s32 s10, $0x1;
	s10 =	sld [smem:$0x3FB3];
	_ =	sdelay $0x3  }
0x37: {  	[smem:$0x3FB3] =	sst s10  }
0x38: {  	s10 =	sld [smem:$0x3FB4]  }
0x39: {  	_ = 	snop;
	(pc) =	sbr.ind lr, $3  }
0x3a: {  	_ = 	snop  }
0x3b: {  	_ = 	snop  }
0x3c: {  	p2 =	seq.s32 s10, $0x1;
	s10 =	sld [smem:$0x3FB3]  }
0x3d: {  	_ =	shalt  }
0x3e: {  	_ =	shalt  }
0x3f: {  	_ =	shalt  }
0x40: {  	_ =	shalt  }
0x41: {  	_ =	shalt  }
0x42: {  	_ =	shalt  }
0x43: {  	_ =	shalt  }
0x44: {  	_ =	shalt  }
0x45: {  	_ =	shalt  }
0x46: {  	_ =	shalt  }
0x47: {  	_ =	shalt  }
0x48: {  	_ =	shalt  }
0x49: {  	_ =	shalt  }
0x4a: {  	_ =	shalt  }
0x4b: {  	_ =	shalt  }
0x4c: {  	_ =	shalt  }
0x4d: {  	_ =	shalt  }
0x4e: {  	_ =	shalt  }
0x4f: {  	_ =	shalt  }
0x50: {  	_ =	shalt  }
0x51: {  	_ =	shalt  }
0x52: {  	_ =	shalt  }
0x53: {  	_ =	shalt  }
0x54: {  	_ =	shalt  }
0x55: {  	_ =	shalt  }
0x56: {  	_ =	shalt  }
0x57: {  	_ =	shalt  }
0x58: {  	_ =	shalt  }
0x59: {  	_ =	shalt  }
0x5a: {  	_ =	shalt  }
0x5b: {  	_ =	shalt  }
0x5c: {  	_ =	shalt  }
0x5d: {  	_ =	shalt  }
0x5e: {  	_ =	shalt  }
0x5f: {  	_ =	shalt  }
0x60: {  	_ =	shalt  }
0x61: {  	_ =	shalt  }
0x62: {  	_ =	shalt  }
0x63: {  	_ =	shalt  }
0x64: {  	_ =	shalt  }
0x65: {  	_ =	shalt  }
0x66: {  	_ =	shalt  }
0x67: {  	_ =	shalt  }
0x68: {  	_ =	shalt  }
0x69: {  	_ =	shalt  }
0x6a: {  	_ =	shalt  }
0x6b: {  	_ =	shalt  }
0x6c: {  	_ =	shalt  }
0x6d: {  	_ =	shalt  }
0x6e: {  	_ =	shalt  }
0x6f: {  	_ =	shalt  }
0x70: {  	_ =	shalt  }
0x71: {  	_ =	shalt  }
0x72: {  	_ =	shalt  }
0x73: {  	_ =	shalt  }
0x74: {  	_ =	shalt  }
0x75: {  	_ =	shalt  }
0x76: {  	_ =	shalt  }
0x77: {  	_ =	shalt  }
0x78: {  	_ =	shalt  }
0x79: {  	_ =	shalt  }
0x7a: {  	_ =	shalt  }
0x7b: {  	_ =	shalt  }
0x7c: {  	_ =	shalt  }
0x7d: {  	_ =	shalt  }
0x7e: {  	_ =	shalt  }
0x7f: {  	_ =	shalt  }
0x80: {  	_ =	shalt  }
0x81: {  	_ =	shalt  }
0x82: {  	_ =	shalt  }
0x83: {  	_ =	shalt  }
0x84: {  	_ =	shalt  }
0x85: {  	_ =	shalt  }
0x86: {  	_ =	shalt  }
0x87: {  	_ =	shalt  }
.Lfunc_end0:
.L_simem_size_0:
called_computation.1_lowered:
.L_overlay_start_0:
0x88: {  	s2 =	sld [smem:$0x3FD9]  }
0x89: {  	s3 =	sld [smem:$0x3FFE];
	_ =	sdelay $0x1  }
0x8a: {  	s1 =	srdreg.scid  }
0x8b: {  	s0 =	sand.u32 $0x1, s1  }
0x8c: {  	s17 =	sshll.u32 s0, $0xA;
	s2 =	sadd.s32 s3, s2  }
0x8d: {  	s2 =	sadd.s32 s2, s17  }
0x8e: {  	[smem:$0x3FBF] =	sst s2  }
0x8f: {  	_ = 	snop  }
0x90: {  	s2 =	sld [smem:$0x3FD0];
	(tm) =	ssettm $0x1  }
0x91: {  	s18 =	sld [smem:$0x3FFB];
	_ =	sdelay $0x3  }
0x92: {  	_ =	strace s18  }
0x93: {  	s3 =	sld [smem:$0x3FFC];
	_ =	sdelay $0x3  }
0x94: {  	_ =	strace s3  }
0x95: {  	s3 =	sld [smem:$0x3FFD];
	_ =	sdelay $0x3  }
0x96: {  	_ =	strace s3  }
0x97: {  	_ =	strace $0x8FFFFFFF  }
0x98: {  	s19 =	sld [smem:$0x3FDB];
	_ =	sdelay $0x1  }
0x99: {  	s4 =	simm.s32 $_scs_section_size  }
0x9a: {  	s5 =	simm.s32 $_size__tile_overlayer_lowered;
	s6 =	simm.s32 $_tile_overlayer_lowered  }
0x9b: {  	s22 =	simm.s32 $0x1BFF;
	s21 =	sshll.u32 s6, $0x1;
	s3 =	sadd.s32 s4, s19  }
0x9c: {  	s7 =	simm.s32 $0x0;
	s20 =	sshll.u32 s5, $0x1;
	s5 =	sadd.s32 s21, s3  }
0x9d: {  	[timem:s7], [sflag:s22] =	dma.local [hbm:s5], s20  }
0x9e: {  	_ =	swait.ge [sflag:s22], s20  }
0x9f: {  	s4 =	ssub.s32 $0x0, s20;
	[sflag:s22] =	ssyncset.done $0x0  }
0xa0: {  	[sflag:s22] =	ssyncadd.s32 s4;
	_ =	sdelay $0x1  }
0xa1: {  	s23 =	simm.s32 $0x1B8B  }
0xa2: {  	_ =	swait.ge [sflag:s23], $0x1  }
0xa3: {  	[sflag:s23] =	ssyncset.done $0x0  }
0xa4: {  	s25 =	simm.s32 $0x1B8E;
	s24 =	sld [smem:$0x3FFE];
	[sflag:s23] =	ssyncadd.s32 $0xFFFFFFFF  }
0xa5: {  	s26 =	simm.s32 $execute0_lowered;
	[smem:$0x3FD2] =	sst s25  }
0xa6: {  	s5 =	sshll.u32 s26, $0x1;
	_ =	strace $0x80000049;
	[dreg:$0x1] =	wrdreg $0xFFFFFFFF  }
0xa7: {  	s28 =	simm.s32 $_size_execute0_lowered;
	s3 =	sadd.s32 s3, s5;
	[dreg:$0x0] =	wrdreg $0x0  }
0xa8: {  	s5 =	sshll.u32 s28, $0x1;
	[dreg:$0x2] =	wrdreg s3  }
0xa9: {  	[dreg:$0x3] =	wrdreg s5  }
0xaa: {  	[dreg:$0x4] =	wrdreg $0xC0  }
0xab: {  	_ =	task [dreg:s7], $0x5FFFF  }
0xac: {  	[dreg:$0x1] =	wrdreg $0xFFFFFFFF  }
0xad: {  	[dreg:$0x0] =	wrdreg $0x60  }
0xae: {  	[dreg:$0x2] =	wrdreg s2  }
0xaf: {  	[dreg:$0x3] =	wrdreg s24  }
0xb0: {  	[dreg:$0x4] =	wrdreg $0x21000  }
0xb1: {  	[dreg:$0x5] =	wrdreg $0x9  }
0xb2: {  	_ =	task.clear_ibuf [dreg:s7], $0x6FFFF;
	_ =	strace $0x90000049  }
0xb3: {  	s29 =	simm.s32 $0x9;
	_ =	strace $0x8000004B  }
0xb4: {  	_ =	swait.ge [sflag:s29], $0x1  }
0xb5: {  	[sflag:s29] =	ssyncadd.s32 $0xFFFFFFFF  }
0xb6: {  	_ =	strace $0x9000004B  }
0xb7: {  	_ =	sfence  }
0xb8: {  	s30 =	sld [smem:$0x0];
	_ =	sdelay $0x2  }
0xb9: {  	s31 =	sshll.u32 s1, $0xD;
	s1 =	sshrl.u32 s1, $0x2  }
0xba: {  	s3 =	sand.u32 $0x4000, s31;
	s1 =	sadd.s32 s1, s30  }
0xbb: {  	s0 =	sor.u32 s3, s0;
	s1 =	sshll.u32 s1, $0x11  }
0xbc: {  	s0 =	sor.u32 s1, s0  }
0xbd: {  	s0 =	sadd.s32 $0x8F2B, s0  }
0xbe: {  	[sflag:s0] =	ssyncadd.remote.s32 $0x1  }
0xbf: {  	_ =	sfence.sel $0xFFFF  }
0xc0: {  	[dreg:$0x0] =	wrdreg $0xFFFFFFFF;
	(pc) =	sbr.abs _section_cstart, $3  }
0xc1: {  	[dreg:$0x1] =	wrdreg $0xFFFFFFFF  }
0xc2: {  	_ =	task.clear_ibuf [dreg:s7], $0x2FFFF;
	_ =	strace $0x9FFFFFFF  }
0xc3: {  	(tm) =	ssettm $0x7FFFFFFF  }
tec
execute0_lowered:
.L_overlay_start_1:
0x0: {  	(tag) =	ssettag $0x1  }
0x1: {  	s1 =	rddreg [dreg:$0x0]  }
0x2: {  	s5 =	rddreg [dreg:$0x1]  }
0x3: {  	s0 =	srdreg.scid;
	s3 =	stileid.u32  }
0x4: {  	s2 =	rddreg [dreg:$0x2];
	s9 =	smul.u32 $0x2710, s3  }
0x5: {  	s4 =	simm.s32 $0x0;
	s18 =	simm.s32 $0x100;
	s10 =	smul.u32 $0x4E200, s3  }
0x6: {  	s19 =	simm.s32 $0x2;
	s20 =	simm.s32 $0x80;
	s11 =	smul.u32 $0x50000, s3  }
0x7: {  	s21 =	simm.s32 $0x1;
	s6 =	sand.u32 $0x1, s0;
	s16 =	smul.u32 $0x13A0, s3  }
0x8: {  	s23 =	simm.s32 $0x0;
	s0 =	rddreg [dreg:$0x3];
	s7 =	smul.u32 $0x13A00, s6  }
0x9: {  	[smem:$0x7FF] =	sst s4;
	s8 =	smul.u32 $0x27100, s6;
	s6 =	ssub.s32 $0x2, s6  }
0xa: {  	_ =	strace $0x8000004A;
	s29 =	sshrl.u32 s6, $0x1;
	s30 =	sshrl.u32 s10, $0x2  }
0xb: {  	s31 =	sshrl.u32 s11, $0x2;
	s8 =	sadd.s32 s9, s8;
	s15 =	sadd.s32 s7, s5  }
0xc: {  	s6 =	ssub.s32 s6, s29;
	s22 =	sadd.s32 s30, s2;
	s7 =	sadd.s32 s31, s2  }
0xd: {  	s5 =	sadd.s32 s8, s5;
	s6 =	smax.u32 s6, $0x1;
	s8 =	sadd.s32 $0x2000, s7  }
0xe: {  	s9 =	sadd.s32 $0x4000, s7;
	s10 =	sadd.s32 $0x6000, s7;
	s11 =	sadd.s32 $0x8000, s7  }
0xf: {  	s12 =	sadd.s32 $0xA000, s7;
	s13 =	sadd.s32 $0xC000, s7;
	s14 =	sadd.s32 $0xE000, s7  }
0x10: {  	s17 =	sadd.s32 s16, s15;
	s15 =	sadd.s32 $0x10000, s7;
	s16 =	sadd.s32 $0x12000, s7  }
0x11: {  	v0 =	vimm.f32 $0.0e+00;
	s22 =	sshrl.u32 s22, $0x3;
	s5 =	sadd.s32 $0x28E00, s5;
	s17 =	sadd.s32 $0x1A00, s17  }
.LBB2_1:
0x12: {  	s24 =	sand.u32 $0x7F00, s4  }
0x13: {  	s25 =	sand.u32 $0x30, s4;
	s26 =	sshrl.u32 s24, $0x2  }
0x14: {  	s24 =	simm.s32 $0x40;
	s26 =	sor.u32 s25, s26;
	s25 =	simm.s32 $0x0  }
.LBB2_2:
0x15: {  	p0 =	sne.s32 s24, $0x7FC0  }
0x16: {  	[tilespmem:s26+$0x100] =	vst v0;
	s25 =	sadd.s32 $0x10, s25;
	s26 =	smov.u32 s24;
	s24 =	sadd.s32 $0x40, s24  }
.Ltmp0:
0x17: {  	(pc) =	sbr.rel @p0 .LBB2_2-.Ltmp0, $4  }
0x18: {  	_ = 	snop  }
0x19: {  	s26 =	sand.u32 $0x7F00, s26  }
0x1a: {  	s28 =	sand.u32 $0x30, s25;
	s26 =	sshrl.u32 s26, $0x2  }
0x1b: {  	s26 =	sor.u32 s28, s26  }
0x1c: {  	[tilespmem:s26+$0x100] =	vst v0  }
0x1d: {  	[spmem:s7] =	stream.linear.scatter [tilespmem:s18], [sflag:$0x2], $0x2000, $0x38;
	[tilespmem:$0x16100] =	vst v63  }
0x1e: {  	_ =	swait.ge [sflag:s19], $0x2000  }
0x1f: {  	[sflag:s19] =	ssyncset.done $0x0  }
0x20: {  	[sflag:s19] =	ssyncadd.s32 $0xFFFFE000  }
0x21: {  	[spmem:s8] =	stream.linear.scatter [tilespmem:s18], [sflag:$0x2], $0x2000, $0x38;
	[tilespmem:$0x16100] =	vst v63  }
0x22: {  	_ =	swait.ge [sflag:s19], $0x2000  }
0x23: {  	[sflag:s19] =	ssyncset.done $0x0  }
0x24: {  	[sflag:s19] =	ssyncadd.s32 $0xFFFFE000  }
0x25: {  	[spmem:s9] =	stream.linear.scatter [tilespmem:s18], [sflag:$0x2], $0x2000, $0x38;
	[tilespmem:$0x16100] =	vst v63  }
0x26: {  	_ =	swait.ge [sflag:s19], $0x2000  }
0x27: {  	[sflag:s19] =	ssyncset.done $0x0  }
0x28: {  	[sflag:s19] =	ssyncadd.s32 $0xFFFFE000  }
0x29: {  	[spmem:s10] =	stream.linear.scatter [tilespmem:s18], [sflag:$0x2], $0x2000, $0x38;
	[tilespmem:$0x16100] =	vst v63  }
0x2a: {  	_ =	swait.ge [sflag:s19], $0x2000  }
0x2b: {  	[sflag:s19] =	ssyncset.done $0x0  }
0x2c: {  	[sflag:s19] =	ssyncadd.s32 $0xFFFFE000  }
0x2d: {  	[spmem:s11] =	stream.linear.scatter [tilespmem:s18], [sflag:$0x2], $0x2000, $0x38;
	[tilespmem:$0x16100] =	vst v63  }
0x2e: {  	_ =	swait.ge [sflag:s19], $0x2000  }
0x2f: {  	[sflag:s19] =	ssyncset.done $0x0  }
0x30: {  	[sflag:s19] =	ssyncadd.s32 $0xFFFFE000  }
0x31: {  	[spmem:s12] =	stream.linear.scatter [tilespmem:s18], [sflag:$0x2], $0x2000, $0x38;
	[tilespmem:$0x16100] =	vst v63  }
0x32: {  	_ =	swait.ge [sflag:s19], $0x2000  }
0x33: {  	[sflag:s19] =	ssyncset.done $0x0  }
0x34: {  	[sflag:s19] =	ssyncadd.s32 $0xFFFFE000  }
0x35: {  	[spmem:s13] =	stream.linear.scatter [tilespmem:s18], [sflag:$0x2], $0x2000, $0x38;
	[tilespmem:$0x16100] =	vst v63  }
0x36: {  	_ =	swait.ge [sflag:s19], $0x2000  }
0x37: {  	[sflag:s19] =	ssyncset.done $0x0  }
0x38: {  	[sflag:s19] =	ssyncadd.s32 $0xFFFFE000  }
0x39: {  	[spmem:s14] =	stream.linear.scatter [tilespmem:s18], [sflag:$0x2], $0x2000, $0x38;
	[tilespmem:$0x16100] =	vst v63  }
0x3a: {  	_ =	swait.ge [sflag:s19], $0x2000  }
0x3b: {  	[sflag:s19] =	ssyncset.done $0x0  }
0x3c: {  	[sflag:s19] =	ssyncadd.s32 $0xFFFFE000  }
0x3d: {  	[spmem:s15] =	stream.linear.scatter [tilespmem:s18], [sflag:$0x2], $0x2000, $0x38;
	[tilespmem:$0x16100] =	vst v63  }
0x3e: {  	_ =	swait.ge [sflag:s19], $0x2000  }
0x3f: {  	[sflag:s19] =	ssyncset.done $0x0  }
0x40: {  	[sflag:s19] =	ssyncadd.s32 $0xFFFFE000  }
0x41: {  	[spmem:s16] =	stream.linear.scatter [tilespmem:s18], [sflag:$0x2], $0x2000, $0x38;
	[tilespmem:$0x16100] =	vst v63  }
0x42: {  	_ =	swait.ge [sflag:s19], $0x2000  }
0x43: {  	[sflag:s19] =	ssyncset.done $0x0  }
0x44: {  	[sflag:s19] =	ssyncadd.s32 $0xFFFFE000  }
0x45: {  	s24 =	sadd.s32 $0x0, s17;
	[bflag:$0x0] =	sbarrier.arrive $0xFFFF  }
0x46: {  	[tilespmem:s4], [sflag:$0x2] =	stream.linear.gather [hbm4b:s24+s4], $0x100, $0x38;
	[tilespmem:$0x16100] =	vst v63  }
0x47: {  	_ =	swait.ge [sflag:s19], $0x100  }
0x48: {  	[sflag:s19] =	ssyncset.done $0x0  }
0x49: {  	[sflag:s19] =	ssyncadd.s32 $0xFFFFFF00  }
0x4a: {  	[tilespmem:s18], [sflag:$0x1] =	stream.indirect.gather [hbm4b:s1+s20], $0x40, s4, s20, $0xb8;
	[tilespmem:$0x16100] =	vst v63  }
0x4b: {  	_ =	swait.ge [sflag:s21], $0x2000  }
0x4c: {  	[sflag:s21] =	ssyncset.done $0x0  }
0x4d: {  	[sflag:s21] =	ssyncadd.s32 $0xFFFFE000  }
0x4e: {  	[spmem:s2] =	stream.indirect.scatter.add.f32 [tilespmem:s18], [sflag:$0x2], $0x40, s20, s20, $0xb8;
	[tilespmem:$0x16100] =	vst v63  }
0x4f: {  	_ =	swait.ge [sflag:s19], $0x2000  }
0x50: {  	s25 =	simm.s32 $0x40;
	s24 =	simm.s32 $0x20;
	[sflag:s19] =	ssyncset.done $0x0  }
.LBB2_4:
0x51: {  	s26 =	sadd.s32 s24, s17  }
0x52: {  	[sflag:s19] =	ssyncadd.s32 $0xFFFFE000;
	s24 =	smov.u32 s25;
	s28 =	sadd.s32 $0x20, s25  }
0x53: {  	[tilespmem:s4], [sflag:$0x2] =	stream.linear.gather [hbm4b:s26+s4], $0x100, $0x38;
	[tilespmem:$0x16100] =	vst v63  }
0x54: {  	p0 =	sne.s32 s25, $0x1380;
	_ =	swait.ge [sflag:s19], $0x100  }
0x55: {  	[sflag:s19] =	ssyncset.done $0x0  }
0x56: {  	[sflag:s19] =	ssyncadd.s32 $0xFFFFFF00  }
0x57: {  	[tilespmem:s18], [sflag:$0x1] =	stream.indirect.gather [hbm4b:s1+s20], $0x40, s4, s20, $0xb8;
	[tilespmem:$0x16100] =	vst v63  }
0x58: {  	_ =	swait.ge [sflag:s21], $0x2000  }
.Ltmp1:
0x59: {  	[sflag:s21] =	ssyncset.done $0x0;
	(pc) =	sbr.rel @p0 .LBB2_4-.Ltmp1, $4  }
0x5a: {  	[sflag:s21] =	ssyncadd.s32 $0xFFFFE000  }
0x5b: {  	[spmem:s2] =	stream.indirect.scatter.add.f32 [tilespmem:s18], [sflag:$0x2], $0x40, s20, s20, $0xb8;
	[tilespmem:$0x16100] =	vst v63  }
0x5c: {  	_ =	swait.ge [sflag:s19], $0x2000  }
0x5d: {  	s25 =	smov.u32 s28;
	[sflag:s19] =	ssyncset.done $0x0  }
0x5e: {  	s24 =	sadd.s32 s24, s17;
	[sflag:s19] =	ssyncadd.s32 $0xFFFFE000  }
0x5f: {  	[tilespmem:s4], [sflag:$0x2] =	stream.linear.gather [hbm4b:s24+s4], $0x100, $0x38;
	[tilespmem:$0x16100] =	vst v63  }
0x60: {  	_ =	swait.ge [sflag:s19], $0x100  }
0x61: {  	[sflag:s19] =	ssyncset.done $0x0  }
0x62: {  	[sflag:s19] =	ssyncadd.s32 $0xFFFFFF00  }
0x63: {  	[tilespmem:s18], [sflag:$0x1] =	stream.indirect.gather [hbm4b:s1+s20], $0x40, s4, s20, $0xb8;
	[tilespmem:$0x16100] =	vst v63  }
0x64: {  	_ =	swait.ge [sflag:s21], $0x2000  }
0x65: {  	[sflag:s21] =	ssyncset.done $0x0  }
0x66: {  	[sflag:s21] =	ssyncadd.s32 $0xFFFFE000  }
0x67: {  	[spmem:s2] =	stream.indirect.scatter.add.f32 [tilespmem:s18], [sflag:$0x2], $0x40, s20, s20, $0xb8;
	[tilespmem:$0x16100] =	vst v63  }
0x68: {  	_ =	swait.ge [sflag:s19], $0x2000  }
0x69: {  	s23 =	sadd.s32 $0x1, s23;
	[sflag:s19] =	ssyncset.done $0x0  }
0x6a: {  	s31 =	sshll.u32 s3, $0x6;
	p0 =	sne.s32 s23, s6;
	[sflag:s19] =	ssyncadd.s32 $0xFFFFE000  }
.Ltmp2:
0x6b: {  	s24 =	sor.u32 $0x1C02, s31;
	[bflag:$0x0] =	sbarrier.arrive $0xFFFF;
	(pc) =	sbr.rel @p0 .LBB2_1-.Ltmp2, $4  }
0x6c: {  	[hbm:s5], [sflag:s24] =	dma.local [spmem:s22], $0x2710  }
0x6d: {  	_ =	swait.ge [sflag:s19], $0x2710  }
0x6e: {  	[sflag:s19] =	ssyncset.done $0x0  }
0x6f: {  	[sflag:s19] =	ssyncadd.s32 $0xFFFFD8F0  }
0x70: {  	_ =	sfence.sel $0x180000  }
0x71: {  	[bflag:$0x0] =	sbarrier.arrive $0xFFFF  }
0x72: {  	p0 =	sne.s32 s3, $0x0;
	_ =	strace $0x9000004A  }
0x73: {  	s0 =	sadd.s32 @!p0 $0x100000, s0;
	[bflag:$0x2] =	sbarrier.arrive $0xFFFF  }
0x74: {  	[sflag:s0] =	ssyncadd.tile.s32 @!p0 $0x1;
	_ =	shalt  }
.Lfunc_end2:
_tile_overlayer_lowered:
.L_overlay_start_2:
0x75: {  	(tag) =	ssettag $0x2  }
0x76: {  	s0 =	rddreg [dreg:$0x0];
	s2 =	stileid.u32  }
0x77: {  	s1 =	rddreg [dreg:$0x1];
	p0 =	sne.s32 s2, $0x0  }
0x78: {  	s3 =	rddreg [dreg:$0x2];
	[bflag:$0x3] =	sbarrier.arrive $0xFFFF;
	s2 =	simm.s32 @!p0 $0x1C02  }
0x79: {  	[timem:s3], [sflag:s2] =	dma.local @!p0 [hbm:s0], s1  }
0x7a: {  	s0 =	simm.s32 @!p0 $0x2  }
0x7b: {  	_ =	swait.ge @!p0 [sflag:s0], s1  }
0x7c: {  	s1 =	ssub.s32 @!p0 $0x0, s1;
	[sflag:s0] =	ssyncset.done @!p0 $0x0  }
0x7d: {  	[sflag:s0] =	ssyncadd.s32 @!p0 s1  }
0x7e: {  	[bflag:$0x3] =	sbarrier.arrive $0xFFFF  }
0x7f: {  	_ =	shalt  }

</sc_bundles>
